<compile_context>
chip_gen: v7x
topology: tpu7x:2x2x1
jax: 0.10.2.dev20260603
libtpu: 0.0.44.dev20260713+nightly
codegen_flags: <defaults>
</compile_context>

<pallas_src>
import functools

import jax
import jax.numpy as jnp
from jax import lax
from jax.experimental import pallas as pl
from jax.experimental.pallas import tpu as pltpu
from jax.experimental.pallas import tpu_sc as plsc

_TILE = 512


def _bf(v):
    return v.astype(jnp.bfloat16)


def _dot(a, b):
    return jnp.dot(_bf(a), b, preferred_element_type=jnp.float32)


def _enc_body(x_ref, w1_ref, b1_ref, g1_ref, be1_ref, m1_ref, v1_ref,
              w2_ref, b2_ref, g2_ref, be2_ref, m2_ref, v2_ref,
              w3_ref, b3_ref, ze_ref):
    h = jnp.dot(x_ref[...], w1_ref[...], preferred_element_type=jnp.float32)
    h = jnp.maximum(h + b1_ref[...], 0.0)
    h = (h - m1_ref[...]) / jnp.sqrt(v1_ref[...] + 1e-5) * g1_ref[...] + be1_ref[...]
    h = jnp.maximum(_dot(h, w2_ref[...]) + b2_ref[...], 0.0)
    h = (h - m2_ref[...]) / jnp.sqrt(v2_ref[...] + 1e-5) * g2_ref[...] + be2_ref[...]
    ze_ref[...] = _dot(h, w3_ref[...]) + b3_ref[...]


def _vq_body(ze_ref, ze2_ref, cbt_ref, idx_ref, cbsq_ref, cbtb_ref):
    kk = cbt_ref.shape[1]

    @pl.when(pl.program_id(0) == 0)
    def _():
        c = cbt_ref[...]
        cbsq_ref[...] = jnp.sum(c * c, axis=0, keepdims=True)
        cbtb_ref[...] = _bf(c)

    ze = ze_ref[...]
    d2 = ze2_ref[...] - 2.0 * jnp.dot(_bf(ze), cbtb_ref[...],
                                      preferred_element_type=jnp.float32) + cbsq_ref[...]

    nch = 2
    cw = kk // nch
    acc_v = None
    acc_i = None
    for c in range(nch):
        blk = d2[:, c * cw:(c + 1) * cw]
        mv = jnp.min(blk, axis=1, keepdims=True)
        ii = lax.broadcasted_iota(jnp.int32, blk.shape, 1) + c * cw
        mi = jnp.min(jnp.where(blk <= mv, ii, kk), axis=1)
        cv = mv[:, 0]
        if c == 0:
            acc_v = _bf(cv).astype(jnp.float32)
            acc_i = mi
        else:
            take = (cv < acc_v) | ((cv == acc_v) & (mi < acc_i))
            acc_i = jnp.where(take, mi, acc_i)
            acc_v = jnp.where(take, _bf(cv).astype(jnp.float32), acc_v)

    idx_ref[...] = acc_i[:, None]


def _dec_body(zq_ref, ze_ref, x_ref,
              w1_ref, b1_ref, g1_ref, be1_ref, m1_ref, v1_ref,
              w2_ref, b2_ref, g2_ref, be2_ref, m2_ref, v2_ref,
              w3_ref, b3_ref,
              xr_ref, vq_ref, se_ref):
    i = pl.program_id(0)
    zq = zq_ref[...][:, :ze_ref.shape[1]]
    ze = ze_ref[...]
    zqst = ze + (zq - ze)
    h = jnp.maximum(_dot(zqst, w1_ref[...]) + b1_ref[...], 0.0)
    h = (h - m1_ref[...]) / jnp.sqrt(v1_ref[...] + 1e-5) * g1_ref[...] + be1_ref[...]
    h = jnp.maximum(_dot(h, w2_ref[...]) + b2_ref[...], 0.0)
    h = (h - m2_ref[...]) / jnp.sqrt(v2_ref[...] + 1e-5) * g2_ref[...] + be2_ref[...]
    xr = _dot(h, w3_ref[...]) + b3_ref[...]
    xr_ref[...] = xr

    dv = zq - ze
    dx = xr - x_ref[...]

    @pl.when(i == 0)
    def _():
        vq_ref[...] = jnp.zeros((1, 1), jnp.float32)
        se_ref[...] = jnp.zeros((1, 1), jnp.float32)

    vq_ref[...] += jnp.sum(dv * dv, axis=(0, 1), keepdims=True)
    se_ref[...] += jnp.sum(dx * dx, axis=(0, 1), keepdims=True)


def _full(shape):
    return pl.BlockSpec(shape, lambda i: (0,) * len(shape))


@functools.lru_cache(maxsize=None)
def _build_sc_gather(bn, ll):
    nc, ns = 2, 16
    nw = nc * ns
    bpw = bn // nw
    ch = 128
    nch = bpw // ch
    mesh = plsc.VectorSubcoreMesh(core_axis_name="c", subcore_axis_name="s")

    @functools.partial(
        pl.kernel, mesh=mesh,
        out_type=jax.ShapeDtypeStruct((bn, ll), jnp.float32),
        scratch_types=[
            pltpu.VMEM((bpw,), jnp.int32),
            pltpu.VMEM((bpw, ll), jnp.float32),
            pltpu.SemaphoreType.DMA,
        ],
    )
    def gather_k(cb_hbm, idx_hbm, out_hbm, idx_v, rows_v, sem):
        wid = lax.axis_index("s") * nc + lax.axis_index("c")
        base = wid * bpw
        pltpu.sync_copy(idx_hbm.at[pl.ds(base, bpw)], idx_v)
        cps = [
            pltpu.async_copy(cb_hbm.at[idx_v.at[pl.ds(j * ch, ch)]],
                             rows_v.at[pl.ds(j * ch, ch)], sem)
            for j in range(nch)
        ]
        for c in cps:
            c.wait()
        pltpu.sync_copy(rows_v, out_hbm.at[pl.ds(base, bpw)])

    return gather_k


def _gather_codebook(cb, idx):
    llp = 128
    cbp = jnp.pad(cb, ((0, 0), (0, llp - cb.shape[1])))
    return _build_sc_gather(idx.shape[0], llp)(cbp, idx)


def kernel(x, params):
    p = params
    bn, in_dim = x.shape
    cb = p["codebook"]
    kk, ll = cb.shape
    h1 = p["enc_l1"]["W"].shape[0]
    h2 = p["enc_l2"]["W"].shape[0]
    grid = bn // _TILE

    def row(v):
        return v[None, :]

    def bn_args(q):
        return (row(q["g"]), row(q["beta"]), row(q["m"]), row(q["v"]))

    def wt(q):
        return q["W"].T.astype(jnp.bfloat16)

    enc_in = (
        x.astype(jnp.bfloat16),
        wt(p["enc_l1"]), row(p["enc_l1"]["b"]), *bn_args(p["enc_bn1"]),
        wt(p["enc_l2"]), row(p["enc_l2"]["b"]), *bn_args(p["enc_bn2"]),
        wt(p["enc_l3"]), row(p["enc_l3"]["b"]),
    )
    enc_specs = [
        pl.BlockSpec((_TILE, in_dim), lambda i: (i, 0)),
        _full((in_dim, h1)), _full((1, h1)), _full((1, h1)), _full((1, h1)),
        _full((1, h1)), _full((1, h1)),
        _full((h1, h2)), _full((1, h2)), _full((1, h2)), _full((1, h2)),
        _full((1, h2)), _full((1, h2)),
        _full((h2, ll)), _full((1, ll)),
    ]
    ze = pl.pallas_call(
        _enc_body,
        grid=(grid,),
        in_specs=enc_specs,
        out_specs=pl.BlockSpec((_TILE, ll), lambda i: (i, 0)),
        out_shape=jax.ShapeDtypeStruct((bn, ll), jnp.float32),
    )(*enc_in)

    ze2 = jnp.sum(ze * ze, axis=1, keepdims=True)

    idx2 = pl.pallas_call(
        _vq_body,
        grid=(grid,),
        in_specs=[
            pl.BlockSpec((_TILE, ll), lambda i: (i, 0)),
            pl.BlockSpec((_TILE, 1), lambda i: (i, 0)),
            _full((ll, kk)),
        ],
        out_specs=pl.BlockSpec((_TILE, 1), lambda i: (i, 0)),
        out_shape=jax.ShapeDtypeStruct((bn, 1), jnp.int32),
        scratch_shapes=[pltpu.VMEM((1, kk), jnp.float32),
                        pltpu.VMEM((ll, kk), jnp.bfloat16)],
    )(ze, ze2, cb.T)
    idx = idx2.reshape(bn)

    zq = _gather_codebook(cb, idx)

    dec_in = (
        zq, ze, x,
        wt(p["dec_l1"]), row(p["dec_l1"]["b"]), *bn_args(p["dec_bn1"]),
        wt(p["dec_l2"]), row(p["dec_l2"]["b"]), *bn_args(p["dec_bn2"]),
        wt(p["dec_l3"]), row(p["dec_l3"]["b"]),
    )
    dec_specs = [
        pl.BlockSpec((_TILE, zq.shape[1]), lambda i: (i, 0)),
        pl.BlockSpec((_TILE, ll), lambda i: (i, 0)),
        pl.BlockSpec((_TILE, in_dim), lambda i: (i, 0)),
        _full((ll, h2)), _full((1, h2)), _full((1, h2)), _full((1, h2)),
        _full((1, h2)), _full((1, h2)),
        _full((h2, h1)), _full((1, h1)), _full((1, h1)), _full((1, h1)),
        _full((1, h1)), _full((1, h1)),
        _full((h1, in_dim)), _full((1, in_dim)),
    ]
    xr, vqs, ses = pl.pallas_call(
        _dec_body,
        grid=(grid,),
        in_specs=dec_specs,
        out_specs=[
            pl.BlockSpec((_TILE, in_dim), lambda i: (i, 0)),
            pl.BlockSpec((1, 1), lambda i: (0, 0)),
            pl.BlockSpec((1, 1), lambda i: (0, 0)),
        ],
        out_shape=[
            jax.ShapeDtypeStruct((bn, in_dim), jnp.float32),
            jax.ShapeDtypeStruct((1, 1), jnp.float32),
            jax.ShapeDtypeStruct((1, 1), jnp.float32),
        ],
    )(*dec_in)

    vq_loss = vqs[0, 0] * (1.25 / (bn * ll))
    recon_err = ses[0, 0] * (1.0 / (bn * in_dim))
    perplexity = jnp.float32(1.0)
    usage_mean = jnp.float32(0.0)
    return (xr, vq_loss, idx, perplexity, usage_mean, recon_err)

# --- scband reference (transcript-rebuilt; emitter-appended) ---
"""Pipeline reference for scband-vqvae-11106785427823 (READ-ONLY COPY).

The authoritative reference and input builder live on the scoring server;
editing this copy changes nothing except your own understanding.
"""

import jax, jax.numpy as jnp
import numpy as np

B, IN_DIM, LATENT, K = 16384, 512, 64, 8192
HID = [256, 128]

def _lin(k, i, o):
    lim = float(np.sqrt(6.0 / (i + o)))
    return {"W": jax.random.uniform(k, (o, i), minval=-lim, maxval=lim, dtype=jnp.float32),
            "b": jnp.zeros((o,), jnp.float32)}

def _bn(d):
    return {"g": jnp.ones((d,), jnp.float32), "beta": jnp.zeros((d,), jnp.float32),
            "m": jnp.zeros((d,), jnp.float32), "v": jnp.ones((d,), jnp.float32)}

def setup_inputs(seed: int = 0) -> dict:
    key = jax.random.key(seed)
    ks = jax.random.split(key, 8)
    x = jax.random.normal(ks[0], (B, IN_DIM), dtype=jnp.float32)
    lim_cb = float(np.sqrt(6.0 / (K + LATENT)))
    params = {
        "enc_l1": _lin(ks[1], IN_DIM, HID[0]), "enc_bn1": _bn(HID[0]),
        "enc_l2": _lin(ks[2], HID[0], HID[1]), "enc_bn2": _bn(HID[1]),
        "enc_l3": _lin(ks[3], HID[1], LATENT),
        "codebook": jax.random.uniform(ks[4], (K, LATENT), minval=-lim_cb, maxval=lim_cb, dtype=jnp.float32),
        "dec_l1": _lin(ks[5], LATENT, HID[1]), "dec_bn1": _bn(HID[1]),
        "dec_l2": _lin(ks[6], HID[1], HID[0]), "dec_bn2": _bn(HID[0]),
        "dec_l3": _lin(ks[7], HID[0], IN_DIM),
    }
    return {"x": x, "params": params}

def _linear(h, p):
    return h @ p["W"].T + p["b"]

def _bnorm(h, p):
    # eval-mode BatchNorm1d with running stats (mean=0, var=1 at init)
    return (h - p["m"]) / jnp.sqrt(p["v"] + 1e-5) * p["g"] + p["beta"]

def reference(x, params):
    # Encoder (Dropout is identity in eval mode)
    h = _bnorm(jax.nn.relu(_linear(x, params["enc_l1"])), params["enc_bn1"])
    h = _bnorm(jax.nn.relu(_linear(h, params["enc_l2"])), params["enc_bn2"])
    z_e = _linear(h, params["enc_l3"])
    # Vector quantization: nearest codebook entry by L2 distance
    cb = params["codebook"]
    d2 = (jnp.sum(z_e * z_e, axis=1, keepdims=True)
          - 2.0 * (z_e @ cb.T)
          + jnp.sum(cb * cb, axis=1)[None, :])
    encoding_indices = jnp.argmin(d2, axis=-1)
    z_q = jnp.take(cb, encoding_indices, axis=0)
    codebook_loss = jnp.mean((z_q - jax.lax.stop_gradient(z_e)) ** 2)
    commitment_loss = jnp.mean((z_e - jax.lax.stop_gradient(z_q)) ** 2)
    vq_loss = codebook_loss + 0.25 * commitment_loss
    # Straight-through estimator
    z_q_st = z_e + jax.lax.stop_gradient(z_q - z_e)
    # Decoder
    h = _bnorm(jax.nn.relu(_linear(z_q_st, params["dec_l1"])), params["dec_bn1"])
    h = _bnorm(jax.nn.relu(_linear(h, params["dec_l2"])), params["dec_bn2"])
    x_recon = _linear(h, params["dec_l3"])
    # Metrics (eval mode: cluster_usage buffer is zeros)
    usage = jnp.zeros((K,), jnp.float32)
    perplexity = jnp.exp(-jnp.sum(usage * jnp.log(usage + 1e-8)))
    recon_err = jnp.mean((x_recon - x) ** 2)
    return (x_recon, vq_loss, encoding_indices, perplexity, usage.mean(), recon_err)

if __name__ == "__main__":
    import jax
    _d = setup_inputs()
    print(jax.jit(kernel)(*tuple(_d.values())))

</pallas_src>

<mosaic_0001>
#map = affine_map<(d0, d1) -> (0, 0)>
#map1 = affine_map<(d0, d1) -> (0)>
module attributes {stable_mosaic.version = 14 : i64} {
  func.func @gather_k(%arg0: i32, %arg1: i32, %arg2: memref<8192x128xf32, #tpu.memory_space<hbm>>, %arg3: memref<16384xi32, #tpu.memory_space<hbm>>, %arg4: memref<16384x128xf32, #tpu.memory_space<hbm>>, %arg5: memref<512xi32, #tpu.memory_space<vmem>>, %arg6: memref<512x128xf32, #tpu.memory_space<vmem>>, %arg7: memref<!tpu.dma_semaphore, #tpu.memory_space<semaphore_mem>>) attributes {dimension_semantics = [#tpu.dimension_semantics<core_parallel>, #tpu.dimension_semantics<subcore_parallel>], iteration_bounds = array<i64: 2, 16>, scalar_prefetch = 0 : i64, scratch_operands = 3 : i64, tpu.core_type = #tpu.core_type<sc_vector_subcore>, window_params = [{transform_indices = #map}, {transform_indices = #map1}, {transform_indices = #map}]} {
    %mul3A = arith.constant 2 : i32
    %mul3A_0 = arith.muli %arg1, %mul3A : i32
    %add3A = arith.addi %mul3A_0, %arg0 : i32
    %mul3A_1 = arith.constant 512 : i32
    %mul3A_2 = arith.muli %add3A, %mul3A_1 : i32
    "tpu.region"() ({
      %run_scoped3A = tpu.sem_alloc : memref<!tpu.dma_semaphore, #tpu.memory_space<semaphore_mem>>
      %dma_start3A_65 = tpu.memref_slice %arg3[%mul3A_2] : memref<16384xi32, #tpu.memory_space<hbm>> -> memref<512xi32, #tpu.memory_space<hbm>>
      %dma_start3A_66 = tpu.memref_slice %arg3[%mul3A_2] : memref<16384xi32, #tpu.memory_space<hbm>> -> memref<512xi32, #tpu.memory_space<hbm>>
      tpu.enqueue_dma source(%dma_start3A_66 : memref<512xi32, #tpu.memory_space<hbm>>) target(%arg5 : memref<512xi32, #tpu.memory_space<vmem>>) target_semaphore(%run_scoped3A : memref<!tpu.dma_semaphore, #tpu.memory_space<semaphore_mem>>)
      %dma_wait3A_67 = tpu.memref_slice %arg3[%mul3A_2] : memref<16384xi32, #tpu.memory_space<hbm>> -> memref<512xi32, #tpu.memory_space<hbm>>
      %dma_wait3A_68 = tpu.memref_slice %arg3[%mul3A_2] : memref<16384xi32, #tpu.memory_space<hbm>> -> memref<512xi32, #tpu.memory_space<hbm>>
      tpu.wait_dma2 semaphore(%run_scoped3A : memref<!tpu.dma_semaphore, #tpu.memory_space<semaphore_mem>>) src(%dma_wait3A_68 : memref<512xi32, #tpu.memory_space<hbm>>) dst(%arg5 : memref<512xi32, #tpu.memory_space<vmem>>)
      tpu.yield
    }) : () -> ()
    %dma_start3A = arith.constant 0 : i32
    %dma_start3A_3 = arith.constant 0 : i32
    %dma_start3A_4 = tpu.memref_slice %arg6[%dma_start3A, %dma_start3A_3] : memref<512x128xf32, #tpu.memory_space<vmem>> -> memref<128x128xf32, #tpu.memory_space<vmem>>
    %dma_start3A_5 = arith.constant 0 : i32
    %dma_start3A_6 = tpu.memref_slice %arg5[%dma_start3A_5] : memref<512xi32, #tpu.memory_space<vmem>> -> memref<128xi32, #tpu.memory_space<vmem>>
    %dma_start3A_7 = arith.constant 0 : i32
    %dma_start3A_8 = arith.constant 0 : i32
    %dma_start3A_9 = tpu.memref_slice %arg2[%dma_start3A_7, %dma_start3A_8] : memref<8192x128xf32, #tpu.memory_space<hbm>> -> memref<8192x128xf32, #tpu.memory_space<hbm>>
    tpu.enqueue_indirect_dma source(%dma_start3A_9 : memref<8192x128xf32, #tpu.memory_space<hbm>>) target(%dma_start3A_4 : memref<128x128xf32, #tpu.memory_space<vmem>>) offsets(%dma_start3A_6 : memref<128xi32, #tpu.memory_space<vmem>>) semaphore(%arg7 : memref<!tpu.dma_semaphore, #tpu.memory_space<semaphore_mem>>)
    %dma_start3A_10 = arith.constant 128 : i32
    %dma_start3A_11 = arith.constant 0 : i32
    %dma_start3A_12 = tpu.memref_slice %arg6[%dma_start3A_10, %dma_start3A_11] : memref<512x128xf32, #tpu.memory_space<vmem>> -> memref<128x128xf32, #tpu.memory_space<vmem>>
    %dma_start3A_13 = arith.constant 128 : i32
    %dma_start3A_14 = tpu.memref_slice %arg5[%dma_start3A_13] : memref<512xi32, #tpu.memory_space<vmem>> -> memref<128xi32, #tpu.memory_space<vmem>>
    %dma_start3A_15 = arith.constant 0 : i32
    %dma_start3A_16 = arith.constant 0 : i32
    %dma_start3A_17 = tpu.memref_slice %arg2[%dma_start3A_15, %dma_start3A_16] : memref<8192x128xf32, #tpu.memory_space<hbm>> -> memref<8192x128xf32, #tpu.memory_space<hbm>>
    tpu.enqueue_indirect_dma source(%dma_start3A_17 : memref<8192x128xf32, #tpu.memory_space<hbm>>) target(%dma_start3A_12 : memref<128x128xf32, #tpu.memory_space<vmem>>) offsets(%dma_start3A_14 : memref<128xi32, #tpu.memory_space<vmem>>) semaphore(%arg7 : memref<!tpu.dma_semaphore, #tpu.memory_space<semaphore_mem>>)
    %dma_start3A_18 = arith.constant 256 : i32
    %dma_start3A_19 = arith.constant 0 : i32
    %dma_start3A_20 = tpu.memref_slice %arg6[%dma_start3A_18, %dma_start3A_19] : memref<512x128xf32, #tpu.memory_space<vmem>> -> memref<128x128xf32, #tpu.memory_space<vmem>>
    %dma_start3A_21 = arith.constant 256 : i32
    %dma_start3A_22 = tpu.memref_slice %arg5[%dma_start3A_21] : memref<512xi32, #tpu.memory_space<vmem>> -> memref<128xi32, #tpu.memory_space<vmem>>
    %dma_start3A_23 = arith.constant 0 : i32
    %dma_start3A_24 = arith.constant 0 : i32
    %dma_start3A_25 = tpu.memref_slice %arg2[%dma_start3A_23, %dma_start3A_24] : memref<8192x128xf32, #tpu.memory_space<hbm>> -> memref<8192x128xf32, #tpu.memory_space<hbm>>
    tpu.enqueue_indirect_dma source(%dma_start3A_25 : memref<8192x128xf32, #tpu.memory_space<hbm>>) target(%dma_start3A_20 : memref<128x128xf32, #tpu.memory_space<vmem>>) offsets(%dma_start3A_22 : memref<128xi32, #tpu.memory_space<vmem>>) semaphore(%arg7 : memref<!tpu.dma_semaphore, #tpu.memory_space<semaphore_mem>>)
    %dma_start3A_26 = arith.constant 384 : i32
    %dma_start3A_27 = arith.constant 0 : i32
    %dma_start3A_28 = tpu.memref_slice %arg6[%dma_start3A_26, %dma_start3A_27] : memref<512x128xf32, #tpu.memory_space<vmem>> -> memref<128x128xf32, #tpu.memory_space<vmem>>
    %dma_start3A_29 = arith.constant 384 : i32
    %dma_start3A_30 = tpu.memref_slice %arg5[%dma_start3A_29] : memref<512xi32, #tpu.memory_space<vmem>> -> memref<128xi32, #tpu.memory_space<vmem>>
    %dma_start3A_31 = arith.constant 0 : i32
    %dma_start3A_32 = arith.constant 0 : i32
    %dma_start3A_33 = tpu.memref_slice %arg2[%dma_start3A_31, %dma_start3A_32] : memref<8192x128xf32, #tpu.memory_space<hbm>> -> memref<8192x128xf32, #tpu.memory_space<hbm>>
    tpu.enqueue_indirect_dma source(%dma_start3A_33 : memref<8192x128xf32, #tpu.memory_space<hbm>>) target(%dma_start3A_28 : memref<128x128xf32, #tpu.memory_space<vmem>>) offsets(%dma_start3A_30 : memref<128xi32, #tpu.memory_space<vmem>>) semaphore(%arg7 : memref<!tpu.dma_semaphore, #tpu.memory_space<semaphore_mem>>)
    %dma_wait3A = arith.constant 0 : i32
    %dma_wait3A_34 = arith.constant 0 : i32
    %dma_wait3A_35 = tpu.memref_slice %arg6[%dma_wait3A, %dma_wait3A_34] : memref<512x128xf32, #tpu.memory_space<vmem>> -> memref<128x128xf32, #tpu.memory_space<vmem>>
    %dma_wait3A_36 = arith.constant 0 : i32
    %dma_wait3A_37 = tpu.memref_slice %arg5[%dma_wait3A_36] : memref<512xi32, #tpu.memory_space<vmem>> -> memref<128xi32, #tpu.memory_space<vmem>>
    %dma_wait3A_38 = arith.constant 0 : i32
    %dma_wait3A_39 = arith.constant 0 : i32
    %dma_wait3A_40 = tpu.memref_slice %arg2[%dma_wait3A_38, %dma_wait3A_39] : memref<8192x128xf32, #tpu.memory_space<hbm>> -> memref<8192x128xf32, #tpu.memory_space<hbm>>
    tpu.wait_indirect_dma semaphore(%arg7 : memref<!tpu.dma_semaphore, #tpu.memory_space<semaphore_mem>>) src(%dma_wait3A_40 : memref<8192x128xf32, #tpu.memory_space<hbm>>) dst(%dma_wait3A_35 : memref<128x128xf32, #tpu.memory_space<vmem>>)
    %dma_wait3A_41 = arith.constant 128 : i32
    %dma_wait3A_42 = arith.constant 0 : i32
    %dma_wait3A_43 = tpu.memref_slice %arg6[%dma_wait3A_41, %dma_wait3A_42] : memref<512x128xf32, #tpu.memory_space<vmem>> -> memref<128x128xf32, #tpu.memory_space<vmem>>
    %dma_wait3A_44 = arith.constant 128 : i32
    %dma_wait3A_45 = tpu.memref_slice %arg5[%dma_wait3A_44] : memref<512xi32, #tpu.memory_space<vmem>> -> memref<128xi32, #tpu.memory_space<vmem>>
    %dma_wait3A_46 = arith.constant 0 : i32
    %dma_wait3A_47 = arith.constant 0 : i32
    %dma_wait3A_48 = tpu.memref_slice %arg2[%dma_wait3A_46, %dma_wait3A_47] : memref<8192x128xf32, #tpu.memory_space<hbm>> -> memref<8192x128xf32, #tpu.memory_space<hbm>>
    tpu.wait_indirect_dma semaphore(%arg7 : memref<!tpu.dma_semaphore, #tpu.memory_space<semaphore_mem>>) src(%dma_wait3A_48 : memref<8192x128xf32, #tpu.memory_space<hbm>>) dst(%dma_wait3A_43 : memref<128x128xf32, #tpu.memory_space<vmem>>)
    %dma_wait3A_49 = arith.constant 256 : i32
    %dma_wait3A_50 = arith.constant 0 : i32
    %dma_wait3A_51 = tpu.memref_slice %arg6[%dma_wait3A_49, %dma_wait3A_50] : memref<512x128xf32, #tpu.memory_space<vmem>> -> memref<128x128xf32, #tpu.memory_space<vmem>>
    %dma_wait3A_52 = arith.constant 256 : i32
    %dma_wait3A_53 = tpu.memref_slice %arg5[%dma_wait3A_52] : memref<512xi32, #tpu.memory_space<vmem>> -> memref<128xi32, #tpu.memory_space<vmem>>
    %dma_wait3A_54 = arith.constant 0 : i32
    %dma_wait3A_55 = arith.constant 0 : i32
    %dma_wait3A_56 = tpu.memref_slice %arg2[%dma_wait3A_54, %dma_wait3A_55] : memref<8192x128xf32, #tpu.memory_space<hbm>> -> memref<8192x128xf32, #tpu.memory_space<hbm>>
    tpu.wait_indirect_dma semaphore(%arg7 : memref<!tpu.dma_semaphore, #tpu.memory_space<semaphore_mem>>) src(%dma_wait3A_56 : memref<8192x128xf32, #tpu.memory_space<hbm>>) dst(%dma_wait3A_51 : memref<128x128xf32, #tpu.memory_space<vmem>>)
    %dma_wait3A_57 = arith.constant 384 : i32
    %dma_wait3A_58 = arith.constant 0 : i32
    %dma_wait3A_59 = tpu.memref_slice %arg6[%dma_wait3A_57, %dma_wait3A_58] : memref<512x128xf32, #tpu.memory_space<vmem>> -> memref<128x128xf32, #tpu.memory_space<vmem>>
    %dma_wait3A_60 = arith.constant 384 : i32
    %dma_wait3A_61 = tpu.memref_slice %arg5[%dma_wait3A_60] : memref<512xi32, #tpu.memory_space<vmem>> -> memref<128xi32, #tpu.memory_space<vmem>>
    %dma_wait3A_62 = arith.constant 0 : i32
    %dma_wait3A_63 = arith.constant 0 : i32
    %dma_wait3A_64 = tpu.memref_slice %arg2[%dma_wait3A_62, %dma_wait3A_63] : memref<8192x128xf32, #tpu.memory_space<hbm>> -> memref<8192x128xf32, #tpu.memory_space<hbm>>
    tpu.wait_indirect_dma semaphore(%arg7 : memref<!tpu.dma_semaphore, #tpu.memory_space<semaphore_mem>>) src(%dma_wait3A_64 : memref<8192x128xf32, #tpu.memory_space<hbm>>) dst(%dma_wait3A_59 : memref<128x128xf32, #tpu.memory_space<vmem>>)
    "tpu.region"() ({
      %run_scoped3A = tpu.sem_alloc : memref<!tpu.dma_semaphore, #tpu.memory_space<semaphore_mem>>
      %dma_start3A_65 = arith.constant 0 : i32
      %dma_start3A_66 = tpu.memref_slice %arg4[%mul3A_2, %dma_start3A_65] : memref<16384x128xf32, #tpu.memory_space<hbm>> -> memref<512x128xf32, #tpu.memory_space<hbm>>
      %dma_start3A_67 = arith.constant 0 : i32
      %dma_start3A_68 = tpu.memref_slice %arg4[%mul3A_2, %dma_start3A_67] : memref<16384x128xf32, #tpu.memory_space<hbm>> -> memref<512x128xf32, #tpu.memory_space<hbm>>
      tpu.enqueue_dma source(%arg6 : memref<512x128xf32, #tpu.memory_space<vmem>>) target(%dma_start3A_68 : memref<512x128xf32, #tpu.memory_space<hbm>>) target_semaphore(%run_scoped3A : memref<!tpu.dma_semaphore, #tpu.memory_space<semaphore_mem>>)
      %dma_wait3A_69 = arith.constant 0 : i32
      %dma_wait3A_70 = tpu.memref_slice %arg4[%mul3A_2, %dma_wait3A_69] : memref<16384x128xf32, #tpu.memory_space<hbm>> -> memref<512x128xf32, #tpu.memory_space<hbm>>
      %dma_wait3A_71 = arith.constant 0 : i32
      %dma_wait3A_72 = tpu.memref_slice %arg4[%mul3A_2, %dma_wait3A_71] : memref<16384x128xf32, #tpu.memory_space<hbm>> -> memref<512x128xf32, #tpu.memory_space<hbm>>
      tpu.wait_dma2 semaphore(%run_scoped3A : memref<!tpu.dma_semaphore, #tpu.memory_space<semaphore_mem>>) src(%arg6 : memref<512x128xf32, #tpu.memory_space<vmem>>) dst(%dma_wait3A_72 : memref<512x128xf32, #tpu.memory_space<hbm>>)
      tpu.yield
    }) : () -> ()
    return
  }
}

module attributes {stable_mosaic.version = 14 : i64} {
  func.func @_enc_body(%arg0: i32, %arg1: memref<512x512xbf16, #tpu.memory_space<vmem>>, %arg2: memref<512x256xbf16, #tpu.memory_space<vmem>>, %arg3: memref<1x256xf32, #tpu.memory_space<vmem>>, %arg4: memref<1x256xf32, #tpu.memory_space<vmem>>, %arg5: memref<1x256xf32, #tpu.memory_space<vmem>>, %arg6: memref<1x256xf32, #tpu.memory_space<vmem>>, %arg7: memref<1x256xf32, #tpu.memory_space<vmem>>, %arg8: memref<256x128xbf16, #tpu.memory_space<vmem>>, %arg9: memref<1x128xf32, #tpu.memory_space<vmem>>, %arg10: memref<1x128xf32, #tpu.memory_space<vmem>>, %arg11: memref<1x128xf32, #tpu.memory_space<vmem>>, %arg12: memref<1x128xf32, #tpu.memory_space<vmem>>, %arg13: memref<1x128xf32, #tpu.memory_space<vmem>>, %arg14: memref<128x64xbf16, #tpu.memory_space<vmem>>, %arg15: memref<1x64xf32, #tpu.memory_space<vmem>>, %arg16: memref<512x64xf32, #tpu.memory_space<vmem>>) attributes {dimension_semantics = [#tpu.dimension_semantics<arbitrary>], iteration_bounds = array<i64: 32>, scalar_prefetch = 0 : i64, scratch_operands = 0 : i64, tpu.core_type = #tpu.core_type<tc>, window_params = [{transform_indices = @transform_0, window_bounds = array<i64: 512, 512>}, {pipeline_mode = #tpu.pipeline_mode<synchronous>, transform_indices = @transform_1, window_bounds = array<i64: 512, 256>}, {pipeline_mode = #tpu.pipeline_mode<synchronous>, transform_indices = @transform_2, window_bounds = array<i64: 1, 256>}, {pipeline_mode = #tpu.pipeline_mode<synchronous>, transform_indices = @transform_3, window_bounds = array<i64: 1, 256>}, {pipeline_mode = #tpu.pipeline_mode<synchronous>, transform_indices = @transform_4, window_bounds = array<i64: 1, 256>}, {pipeline_mode = #tpu.pipeline_mode<synchronous>, transform_indices = @transform_5, window_bounds = array<i64: 1, 256>}, {pipeline_mode = #tpu.pipeline_mode<synchronous>, transform_indices = @transform_6, window_bounds = array<i64: 1, 256>}, {pipeline_mode = #tpu.pipeline_mode<synchronous>, transform_indices = @transform_7, window_bounds = array<i64: 256, 128>}, {pipeline_mode = #tpu.pipeline_mode<synchronous>, transform_indices = @transform_8, window_bounds = array<i64: 1, 128>}, {pipeline_mode = #tpu.pipeline_mode<synchronous>, transform_indices = @transform_9, window_bounds = array<i64: 1, 128>}, {pipeline_mode = #tpu.pipeline_mode<synchronous>, transform_indices = @transform_10, window_bounds = array<i64: 1, 128>}, {pipeline_mode = #tpu.pipeline_mode<synchronous>, transform_indices = @transform_11, window_bounds = array<i64: 1, 128>}, {pipeline_mode = #tpu.pipeline_mode<synchronous>, transform_indices = @transform_12, window_bounds = array<i64: 1, 128>}, {pipeline_mode = #tpu.pipeline_mode<synchronous>, transform_indices = @transform_13, window_bounds = array<i64: 128, 64>}, {pipeline_mode = #tpu.pipeline_mode<synchronous>, transform_indices = @transform_14, window_bounds = array<i64: 1, 64>}, {transform_indices = @transform_15, window_bounds = array<i64: 512, 64>}]} {
    %get3A = arith.constant 0 : index
    %get3A_0 = arith.constant 0 : index
    %get3A_1 = vector.load %arg1[%get3A, %get3A_0] : memref<512x512xbf16, #tpu.memory_space<vmem>>, vector<512x512xbf16>
    %get3A_2 = arith.constant 0 : index
    %get3A_3 = arith.constant 0 : index
    %get3A_4 = vector.load %arg2[%get3A_2, %get3A_3] : memref<512x256xbf16, #tpu.memory_space<vmem>>, vector<512x256xbf16>
    %dot_general3A = arith.constant dense<0.000000e+00> : vector<512x256xf32>
    %dot_general3A_5 = tpu.matmul %get3A_1, %get3A_4, %dot_general3A {dimension_numbers = #tpu.dot_dimension_numbers<[1], [0], [0], [1], [0, 0, 1, 1], [], []>, transpose_lhs_hint = false} : vector<512x512xbf16>, vector<512x256xbf16>, vector<512x256xf32> -> vector<512x256xf32>
    %get3A_6 = arith.constant 0 : index
    %get3A_7 = arith.constant 0 : index
    %get3A_8 = vector.load %arg3[%get3A_6, %get3A_7] : memref<1x256xf32, #tpu.memory_space<vmem>>, vector<1x256xf32>
    %add3A = vector.broadcast %get3A_8 : vector<1x256xf32> to vector<512x256xf32>
    %add3A_9 = arith.addf %dot_general3A_5, %add3A : vector<512x256xf32>
    %max3A = arith.constant 0.000000e+00 : f32
    %max3A_10 = vector.broadcast %max3A : f32 to vector<512x256xf32>
    %max3A_11 = arith.maximumf %add3A_9, %max3A_10 : vector<512x256xf32>
    %get3A_12 = arith.constant 0 : index
    %get3A_13 = arith.constant 0 : index
    %get3A_14 = vector.load %arg6[%get3A_12, %get3A_13] : memref<1x256xf32, #tpu.memory_space<vmem>>, vector<1x256xf32>
    %sub3A = vector.broadcast %get3A_14 : vector<1x256xf32> to vector<512x256xf32>
    %sub3A_15 = arith.subf %max3A_11, %sub3A : vector<512x256xf32>
    %get3A_16 = arith.constant 0 : index
    %get3A_17 = arith.constant 0 : index
    %get3A_18 = vector.load %arg7[%get3A_16, %get3A_17] : memref<1x256xf32, #tpu.memory_space<vmem>>, vector<1x256xf32>
    %add3A_19 = arith.constant 9.99999974E-6 : f32
    %add3A_20 = vector.broadcast %add3A_19 : f32 to vector<1x256xf32>
    %add3A_21 = arith.addf %get3A_18, %add3A_20 : vector<1x256xf32>
    %sqrt3A = math.sqrt %add3A_21 : vector<1x256xf32>
    %div3A = vector.broadcast %sqrt3A : vector<1x256xf32> to vector<512x256xf32>
    %div3A_22 = arith.divf %sub3A_15, %div3A : vector<512x256xf32>
    %get3A_23 = arith.constant 0 : index
    %get3A_24 = arith.constant 0 : index
    %get3A_25 = vector.load %arg4[%get3A_23, %get3A_24] : memref<1x256xf32, #tpu.memory_space<vmem>>, vector<1x256xf32>
    %mul3A = vector.broadcast %get3A_25 : vector<1x256xf32> to vector<512x256xf32>
    %mul3A_26 = arith.mulf %div3A_22, %mul3A : vector<512x256xf32>
    %get3A_27 = arith.constant 0 : index
    %get3A_28 = arith.constant 0 : index
    %get3A_29 = vector.load %arg5[%get3A_27, %get3A_28] : memref<1x256xf32, #tpu.memory_space<vmem>>, vector<1x256xf32>
    %add3A_30 = vector.broadcast %get3A_29 : vector<1x256xf32> to vector<512x256xf32>
    %add3A_31 = arith.addf %mul3A_26, %add3A_30 : vector<512x256xf32>
    %get3A_32 = arith.constant 0 : index
    %get3A_33 = arith.constant 0 : index
    %get3A_34 = vector.load %arg8[%get3A_32, %get3A_33] : memref<256x128xbf16, #tpu.memory_space<vmem>>, vector<256x128xbf16>
    %convert_element_type3A = arith.truncf %add3A_31 : vector<512x256xf32> to vector<512x256xbf16>
    %dot_general3A_35 = arith.constant dense<0.000000e+00> : vector<512x128xf32>
    %dot_general3A_36 = tpu.matmul %convert_element_type3A, %get3A_34, %dot_general3A_35 {dimension_numbers = #tpu.dot_dimension_numbers<[1], [0], [0], [1], [0, 0, 1, 1], [], []>, transpose_lhs_hint = false} : vector<512x256xbf16>, vector<256x128xbf16>, vector<512x128xf32> -> vector<512x128xf32>
    %get3A_37 = arith.constant 0 : index
    %get3A_38 = arith.constant 0 : index
    %get3A_39 = vector.load %arg9[%get3A_37, %get3A_38] : memref<1x128xf32, #tpu.memory_space<vmem>>, vector<1x128xf32>
    %add3A_40 = vector.broadcast %get3A_39 : vector<1x128xf32> to vector<512x128xf32>
    %add3A_41 = arith.addf %dot_general3A_36, %add3A_40 : vector<512x128xf32>
    %max3A_42 = arith.constant 0.000000e+00 : f32
    %max3A_43 = vector.broadcast %max3A_42 : f32 to vector<512x128xf32>
    %max3A_44 = arith.maximumf %add3A_41, %max3A_43 : vector<512x128xf32>
    %get3A_45 = arith.constant 0 : index
    %get3A_46 = arith.constant 0 : index
    %get3A_47 = vector.load %arg12[%get3A_45, %get3A_46] : memref<1x128xf32, #tpu.memory_space<vmem>>, vector<1x128xf32>
    %sub3A_48 = vector.broadcast %get3A_47 : vector<1x128xf32> to vector<512x128xf32>
    %sub3A_49 = arith.subf %max3A_44, %sub3A_48 : vector<512x128xf32>
    %get3A_50 = arith.constant 0 : index
    %get3A_51 = arith.constant 0 : index
    %get3A_52 = vector.load %arg13[%get3A_50, %get3A_51] : memref<1x128xf32, #tpu.memory_space<vmem>>, vector<1x128xf32>
    %add3A_53 = arith.constant 9.99999974E-6 : f32
    %add3A_54 = vector.broadcast %add3A_53 : f32 to vector<1x128xf32>
    %add3A_55 = arith.addf %get3A_52, %add3A_54 : vector<1x128xf32>
    %sqrt3A_56 = math.sqrt %add3A_55 : vector<1x128xf32>
    %div3A_57 = vector.broadcast %sqrt3A_56 : vector<1x128xf32> to vector<512x128xf32>
    %div3A_58 = arith.divf %sub3A_49, %div3A_57 : vector<512x128xf32>
    %get3A_59 = arith.constant 0 : index
    %get3A_60 = arith.constant 0 : index
    %get3A_61 = vector.load %arg10[%get3A_59, %get3A_60] : memref<1x128xf32, #tpu.memory_space<vmem>>, vector<1x128xf32>
    %mul3A_62 = vector.broadcast %get3A_61 : vector<1x128xf32> to vector<512x128xf32>
    %mul3A_63 = arith.mulf %div3A_58, %mul3A_62 : vector<512x128xf32>
    %get3A_64 = arith.constant 0 : index
    %get3A_65 = arith.constant 0 : index
    %get3A_66 = vector.load %arg11[%get3A_64, %get3A_65] : memref<1x128xf32, #tpu.memory_space<vmem>>, vector<1x128xf32>
    %add3A_67 = vector.broadcast %get3A_66 : vector<1x128xf32> to vector<512x128xf32>
    %add3A_68 = arith.addf %mul3A_63, %add3A_67 : vector<512x128xf32>
    %get3A_69 = arith.constant 0 : index
    %get3A_70 = arith.constant 0 : index
    %get3A_71 = vector.load %arg14[%get3A_69, %get3A_70] : memref<128x64xbf16, #tpu.memory_space<vmem>>, vector<128x64xbf16>
    %convert_element_type3A_72 = arith.truncf %add3A_68 : vector<512x128xf32> to vector<512x128xbf16>
    %dot_general3A_73 = arith.constant dense<0.000000e+00> : vector<512x64xf32>
    %dot_general3A_74 = tpu.matmul %convert_element_type3A_72, %get3A_71, %dot_general3A_73 {dimension_numbers = #tpu.dot_dimension_numbers<[1], [0], [0], [1], [0, 0, 1, 1], [], []>, transpose_lhs_hint = false} : vector<512x128xbf16>, vector<128x64xbf16>, vector<512x64xf32> -> vector<512x64xf32>
    %get3A_75 = arith.constant 0 : index
    %get3A_76 = arith.constant 0 : index
    %get3A_77 = vector.load %arg15[%get3A_75, %get3A_76] : memref<1x64xf32, #tpu.memory_space<vmem>>, vector<1x64xf32>
    %add3A_78 = vector.broadcast %get3A_77 : vector<1x64xf32> to vector<512x64xf32>
    %add3A_79 = arith.addf %dot_general3A_74, %add3A_78 : vector<512x64xf32>
    %swap3A = arith.constant 0 : index
    %swap3A_80 = arith.constant 0 : index
    %swap3A_81 = vector.load %arg16[%swap3A, %swap3A_80] : memref<512x64xf32, #tpu.memory_space<vmem>>, vector<512x64xf32>
    tpu.vector_store %arg16[%swap3A, %swap3A_80], %add3A_79 {strides = array<i32>} : memref<512x64xf32, #tpu.memory_space<vmem>>, vector<512x64xf32>,
    return
  }
  func.func @transform_0(%arg0: i32) -> (i32, i32) {
    %c0_i32 = arith.constant 0 : i32
    %c0_i32_0 = arith.constant 0 : i32
    return %arg0, %c0_i32 : i32, i32
  }
  func.func @transform_1(%arg0: i32) -> (i32, i32) {
    %c0_i32 = arith.constant 0 : i32
    %c0_i32_0 = arith.constant 0 : i32
    %c0_i32_1 = arith.constant 0 : i32
    return %c0_i32, %c0_i32_0 : i32, i32
  }
  func.func @transform_2(%arg0: i32) -> (i32, i32) {
    %c0_i32 = arith.constant 0 : i32
    %c0_i32_0 = arith.constant 0 : i32
    %c0_i32_1 = arith.constant 0 : i32
    return %c0_i32, %c0_i32_0 : i32, i32
  }
  func.func @transform_3(%arg0: i32) -> (i32, i32) {
    %c0_i32 = arith.constant 0 : i32
    %c0_i32_0 = arith.constant 0 : i32
    %c0_i32_1 = arith.constant 0 : i32
    return %c0_i32, %c0_i32_0 : i32, i32
  }
  func.func @transform_4(%arg0: i32) -> (i32, i32) {
    %c0_i32 = arith.constant 0 : i32
    %c0_i32_0 = arith.constant 0 : i32
    %c0_i32_1 = arith.constant 0 : i32
    return %c0_i32, %c0_i32_0 : i32, i32
  }
  func.func @transform_5(%arg0: i32) -> (i32, i32) {
    %c0_i32 = arith.constant 0 : i32
    %c0_i32_0 = arith.constant 0 : i32
    %c0_i32_1 = arith.constant 0 : i32
    return %c0_i32, %c0_i32_0 : i32, i32
  }
  func.func @transform_6(%arg0: i32) -> (i32, i32) {
    %c0_i32 = arith.constant 0 : i32
    %c0_i32_0 = arith.constant 0 : i32
    %c0_i32_1 = arith.constant 0 : i32
    return %c0_i32, %c0_i32_0 : i32, i32
  }
  func.func @transform_7(%arg0: i32) -> (i32, i32) {
    %c0_i32 = arith.constant 0 : i32
    %c0_i32_0 = arith.constant 0 : i32
    %c0_i32_1 = arith.constant 0 : i32
    return %c0_i32, %c0_i32_0 : i32, i32
  }
  func.func @transform_8(%arg0: i32) -> (i32, i32) {
    %c0_i32 = arith.constant 0 : i32
    %c0_i32_0 = arith.constant 0 : i32
    %c0_i32_1 = arith.constant 0 : i32
    return %c0_i32, %c0_i32_0 : i32, i32
  }
  func.func @transform_9(%arg0: i32) -> (i32, i32) {
    %c0_i32 = arith.constant 0 : i32
    %c0_i32_0 = arith.constant 0 : i32
    %c0_i32_1 = arith.constant 0 : i32
    return %c0_i32, %c0_i32_0 : i32, i32
  }
  func.func @transform_10(%arg0: i32) -> (i32, i32) {
    %c0_i32 = arith.constant 0 : i32
    %c0_i32_0 = arith.constant 0 : i32
    %c0_i32_1 = arith.constant 0 : i32
    return %c0_i32, %c0_i32_0 : i32, i32
  }
  func.func @transform_11(%arg0: i32) -> (i32, i32) {
    %c0_i32 = arith.constant 0 : i32
    %c0_i32_0 = arith.constant 0 : i32
    %c0_i32_1 = arith.constant 0 : i32
    return %c0_i32, %c0_i32_0 : i32, i32
  }
  func.func @transform_12(%arg0: i32) -> (i32, i32) {
    %c0_i32 = arith.constant 0 : i32
    %c0_i32_0 = arith.constant 0 : i32
    %c0_i32_1 = arith.constant 0 : i32
    return %c0_i32, %c0_i32_0 : i32, i32
  }
  func.func @transform_13(%arg0: i32) -> (i32, i32) {
    %c0_i32 = arith.constant 0 : i32
    %c0_i32_0 = arith.constant 0 : i32
    %c0_i32_1 = arith.constant 0 : i32
    return %c0_i32, %c0_i32_0 : i32, i32
  }
  func.func @transform_14(%arg0: i32) -> (i32, i32) {
    %c0_i32 = arith.constant 0 : i32
    %c0_i32_0 = arith.constant 0 : i32
    %c0_i32_1 = arith.constant 0 : i32
    return %c0_i32, %c0_i32_0 : i32, i32
  }
  func.func @transform_15(%arg0: i32) -> (i32, i32) {
    %c0_i32 = arith.constant 0 : i32
    %c0_i32_0 = arith.constant 0 : i32
    return %arg0, %c0_i32 : i32, i32
  }
}

module attributes {stable_mosaic.version = 14 : i64} {
  func.func @_vq_body(%arg0: i32, %arg1: memref<512x64xf32, #tpu.memory_space<vmem>>, %arg2: memref<512x1xf32, #tpu.memory_space<vmem>>, %arg3: memref<64x8192xf32, #tpu.memory_space<vmem>>, %arg4: memref<512x1xi32, #tpu.memory_space<vmem>>, %arg5: memref<1x8192xf32, #tpu.memory_space<vmem>>, %arg6: memref<64x8192xbf16, #tpu.memory_space<vmem>>) attributes {dimension_semantics = [#tpu.dimension_semantics<arbitrary>], iteration_bounds = array<i64: 32>, scalar_prefetch = 0 : i64, scratch_operands = 2 : i64, tpu.core_type = #tpu.core_type<tc>, window_params = [{transform_indices = @transform_0, window_bounds = array<i64: 512, 64>}, {transform_indices = @transform_1, window_bounds = array<i64: 512, 1>}, {pipeline_mode = #tpu.pipeline_mode<synchronous>, transform_indices = @transform_2, window_bounds = array<i64: 64, 8192>}, {transform_indices = @transform_3, window_bounds = array<i64: 512, 1>}]} {
    %eq3A = arith.constant 0 : i32
    %eq3A_0 = arith.cmpi eq, %arg0, %eq3A : i32
    %convert_element_type3A = arith.extui %eq3A_0 : i1 to i32
    %cond3A = arith.constant 0 : i32
    %cond3A_1 = arith.cmpi ne, %convert_element_type3A, %cond3A : i32
    scf.if %cond3A_1 {
      %get3A_51 = arith.constant 0 : index
      %get3A_52 = arith.constant 0 : index
      %get3A_53 = vector.load %arg3[%get3A_51, %get3A_52] : memref<64x8192xf32, #tpu.memory_space<vmem>>, vector<64x8192xf32>
      %mul3A_54 = arith.mulf %get3A_53, %get3A_53 : vector<64x8192xf32>
      %reduce_sum3A = arith.constant dense<0.000000e+00> : vector<8192xf32>
      %reduce_sum3A_55 = vector.multi_reduction <add>, %mul3A_54, %reduce_sum3A [0] : vector<64x8192xf32> to vector<8192xf32>
      %broadcast_in_dim3A_56 = vector.shape_cast %reduce_sum3A_55 : vector<8192xf32> to vector<1x8192xf32>
      %swap3A_57 = arith.constant 0 : index
      %swap3A_58 = arith.constant 0 : index
      %swap3A_59 = vector.load %arg5[%swap3A_57, %swap3A_58] : memref<1x8192xf32, #tpu.memory_space<vmem>>, vector<1x8192xf32>
      tpu.vector_store %arg5[%swap3A_57, %swap3A_58], %broadcast_in_dim3A_56 {strides = array<i32>} : memref<1x8192xf32, #tpu.memory_space<vmem>>, vector<1x8192xf32>,
      %convert_element_type3A_60 = arith.truncf %get3A_53 : vector<64x8192xf32> to vector<64x8192xbf16>
      %swap3A_61 = arith.constant 0 : index
      %swap3A_62 = arith.constant 0 : index
      %swap3A_63 = vector.load %arg6[%swap3A_61, %swap3A_62] : memref<64x8192xbf16, #tpu.memory_space<vmem>>, vector<64x8192xbf16>
      tpu.vector_store %arg6[%swap3A_61, %swap3A_62], %convert_element_type3A_60 {strides = array<i32>} : memref<64x8192xbf16, #tpu.memory_space<vmem>>, vector<64x8192xbf16>,
    } else {
    }
    %get3A = arith.constant 0 : index
    %get3A_2 = arith.constant 0 : index
    %get3A_3 = vector.load %arg1[%get3A, %get3A_2] : memref<512x64xf32, #tpu.memory_space<vmem>>, vector<512x64xf32>
    %get3A_4 = arith.constant 0 : index
    %get3A_5 = arith.constant 0 : index
    %get3A_6 = vector.load %arg2[%get3A_4, %get3A_5] : memref<512x1xf32, #tpu.memory_space<vmem>>, vector<512x1xf32>
    %convert_element_type3A_7 = arith.truncf %get3A_3 : vector<512x64xf32> to vector<512x64xbf16>
    %get3A_8 = arith.constant 0 : index
    %get3A_9 = arith.constant 0 : index
    %get3A_10 = vector.load %arg6[%get3A_8, %get3A_9] : memref<64x8192xbf16, #tpu.memory_space<vmem>>, vector<64x8192xbf16>
    %dot_general3A = arith.constant dense<0.000000e+00> : vector<512x8192xf32>
    %dot_general3A_11 = tpu.matmul %convert_element_type3A_7, %get3A_10, %dot_general3A {dimension_numbers = #tpu.dot_dimension_numbers<[1], [0], [0], [1], [0, 0, 1, 1], [], []>, transpose_lhs_hint = false} : vector<512x64xbf16>, vector<64x8192xbf16>, vector<512x8192xf32> -> vector<512x8192xf32>
    %mul3A = arith.constant 2.000000e+00 : f32
    %mul3A_12 = vector.broadcast %mul3A : f32 to vector<512x8192xf32>
    %mul3A_13 = arith.mulf %mul3A_12, %dot_general3A_11 : vector<512x8192xf32>
    %sub3A = vector.broadcast %get3A_6 : vector<512x1xf32> to vector<512x8192xf32>
    %sub3A_14 = arith.subf %sub3A, %mul3A_13 : vector<512x8192xf32>
    %get3A_15 = arith.constant 0 : index
    %get3A_16 = arith.constant 0 : index
    %get3A_17 = vector.load %arg5[%get3A_15, %get3A_16] : memref<1x8192xf32, #tpu.memory_space<vmem>>, vector<1x8192xf32>
    %add3A = vector.broadcast %get3A_17 : vector<1x8192xf32> to vector<512x8192xf32>
    %add3A_18 = arith.addf %sub3A_14, %add3A : vector<512x8192xf32>
    %slice3A = vector.extract_strided_slice %add3A_18 {offsets = [0, 0], sizes = [512, 4096], strides = [1, 1]} : vector<512x8192xf32> to vector<512x4096xf32>
    %reduce_min3A = arith.constant dense<0x7F800000> : vector<512xf32>
    %reduce_min3A_19 = vector.multi_reduction <minimumf>, %slice3A, %reduce_min3A [1] : vector<512x4096xf32> to vector<512xf32>
    %broadcast_in_dim3A = vector.shape_cast %reduce_min3A_19 : vector<512xf32> to vector<512x1xf32>
    %iota3A = tpu.iota {dimensions = array<i32: 1>} : vector<512x4096xi32>
    %add3A_20 = arith.constant 0 : i32
    %add3A_21 = vector.broadcast %add3A_20 : i32 to vector<512x4096xi32>
    %add3A_22 = arith.addi %iota3A, %add3A_21 : vector<512x4096xi32>
    %le3A = vector.broadcast %broadcast_in_dim3A : vector<512x1xf32> to vector<512x4096xf32>
    %le3A_23 = arith.cmpf ole, %slice3A, %le3A : vector<512x4096xf32>
    %jit3A = arith.constant 8192 : i32
    %broadcast_in_dim3A_24 = vector.broadcast %jit3A : i32 to vector<512x4096xi32>
    %select_n3A = arith.select %le3A_23, %add3A_22, %broadcast_in_dim3A_24 : vector<512x4096xi1>, vector<512x4096xi32>
    %reduce_min3A_25 = arith.constant dense<2147483647> : vector<512xi32>
    %reduce_min3A_26 = vector.multi_reduction <minsi>, %select_n3A, %reduce_min3A_25 [1] : vector<512x4096xi32> to vector<512xi32>
    %squeeze3A = vector.shape_cast %broadcast_in_dim3A : vector<512x1xf32> to vector<512xf32>
    %convert_element_type3A_27 = arith.truncf %squeeze3A : vector<512xf32> to vector<512xbf16>
    %convert_element_type3A_28 = arith.extf %convert_element_type3A_27 : vector<512xbf16> to vector<512xf32>
    %slice3A_29 = vector.extract_strided_slice %add3A_18 {offsets = [0, 4096], sizes = [512, 4096], strides = [1, 1]} : vector<512x8192xf32> to vector<512x4096xf32>
    %reduce_min3A_30 = arith.constant dense<0x7F800000> : vector<512xf32>
    %reduce_min3A_31 = vector.multi_reduction <minimumf>, %slice3A_29, %reduce_min3A_30 [1] : vector<512x4096xf32> to vector<512xf32>
    %broadcast_in_dim3A_32 = vector.shape_cast %reduce_min3A_31 : vector<512xf32> to vector<512x1xf32>
    %iota3A_33 = tpu.iota {dimensions = array<i32: 1>} : vector<512x4096xi32>
    %add3A_34 = arith.constant 4096 : i32
    %add3A_35 = vector.broadcast %add3A_34 : i32 to vector<512x4096xi32>
    %add3A_36 = arith.addi %iota3A_33, %add3A_35 : vector<512x4096xi32>
    %le3A_37 = vector.broadcast %broadcast_in_dim3A_32 : vector<512x1xf32> to vector<512x4096xf32>
    %le3A_38 = arith.cmpf ole, %slice3A_29, %le3A_37 : vector<512x4096xf32>
    %jit3A_39 = arith.constant 8192 : i32
    %broadcast_in_dim3A_40 = vector.broadcast %jit3A_39 : i32 to vector<512x4096xi32>
    %select_n3A_41 = arith.select %le3A_38, %add3A_36, %broadcast_in_dim3A_40 : vector<512x4096xi1>, vector<512x4096xi32>
    %reduce_min3A_42 = arith.constant dense<2147483647> : vector<512xi32>
    %reduce_min3A_43 = vector.multi_reduction <minsi>, %select_n3A_41, %reduce_min3A_42 [1] : vector<512x4096xi32> to vector<512xi32>
    %squeeze3A_44 = vector.shape_cast %broadcast_in_dim3A_32 : vector<512x1xf32> to vector<512xf32>
    %lt3A = arith.cmpf olt, %squeeze3A_44, %convert_element_type3A_28 : vector<512xf32>
    %eq3A_45 = arith.cmpf oeq, %squeeze3A_44, %convert_element_type3A_28 : vector<512xf32>
    %lt3A_46 = arith.cmpi slt, %reduce_min3A_43, %reduce_min3A_26 : vector<512xi32>
    %and3A = arith.andi %eq3A_45, %lt3A_46 : vector<512xi1>
    %or3A = arith.ori %lt3A, %and3A : vector<512xi1>
    %select_n3A_47 = arith.select %or3A, %reduce_min3A_43, %reduce_min3A_26 : vector<512xi1>, vector<512xi32>
    %broadcast_in_dim3A_48 = vector.shape_cast %select_n3A_47 : vector<512xi32> to vector<512x1xi32>
    %swap3A = arith.constant 0 : index
    %swap3A_49 = arith.constant 0 : index
    %swap3A_50 = vector.load %arg4[%swap3A, %swap3A_49] : memref<512x1xi32, #tpu.memory_space<vmem>>, vector<512x1xi32>
    tpu.vector_store %arg4[%swap3A, %swap3A_49], %broadcast_in_dim3A_48 {strides = array<i32>} : memref<512x1xi32, #tpu.memory_space<vmem>>, vector<512x1xi32>,
    return
  }
  func.func @transform_0(%arg0: i32) -> (i32, i32) {
    %c0_i32 = arith.constant 0 : i32
    %c0_i32_0 = arith.constant 0 : i32
    return %arg0, %c0_i32 : i32, i32
  }
  func.func @transform_1(%arg0: i32) -> (i32, i32) {
    %c0_i32 = arith.constant 0 : i32
    %c0_i32_0 = arith.constant 0 : i32
    return %arg0, %c0_i32 : i32, i32
  }
  func.func @transform_2(%arg0: i32) -> (i32, i32) {
    %c0_i32 = arith.constant 0 : i32
    %c0_i32_0 = arith.constant 0 : i32
    %c0_i32_1 = arith.constant 0 : i32
    return %c0_i32, %c0_i32_0 : i32, i32
  }
  func.func @transform_3(%arg0: i32) -> (i32, i32) {
    %c0_i32 = arith.constant 0 : i32
    %c0_i32_0 = arith.constant 0 : i32
    return %arg0, %c0_i32 : i32, i32
  }
}

module attributes {stable_mosaic.version = 14 : i64} {
  func.func @_dec_body(%arg0: i32, %arg1: memref<512x128xf32, #tpu.memory_space<vmem>>, %arg2: memref<512x64xf32, #tpu.memory_space<vmem>>, %arg3: memref<512x512xf32, #tpu.memory_space<vmem>>, %arg4: memref<64x128xbf16, #tpu.memory_space<vmem>>, %arg5: memref<1x128xf32, #tpu.memory_space<vmem>>, %arg6: memref<1x128xf32, #tpu.memory_space<vmem>>, %arg7: memref<1x128xf32, #tpu.memory_space<vmem>>, %arg8: memref<1x128xf32, #tpu.memory_space<vmem>>, %arg9: memref<1x128xf32, #tpu.memory_space<vmem>>, %arg10: memref<128x256xbf16, #tpu.memory_space<vmem>>, %arg11: memref<1x256xf32, #tpu.memory_space<vmem>>, %arg12: memref<1x256xf32, #tpu.memory_space<vmem>>, %arg13: memref<1x256xf32, #tpu.memory_space<vmem>>, %arg14: memref<1x256xf32, #tpu.memory_space<vmem>>, %arg15: memref<1x256xf32, #tpu.memory_space<vmem>>, %arg16: memref<256x512xbf16, #tpu.memory_space<vmem>>, %arg17: memref<1x512xf32, #tpu.memory_space<vmem>>, %arg18: memref<512x512xf32, #tpu.memory_space<vmem>>, %arg19: memref<1x1xf32, #tpu.memory_space<vmem>>, %arg20: memref<1x1xf32, #tpu.memory_space<vmem>>) attributes {dimension_semantics = [#tpu.dimension_semantics<arbitrary>], iteration_bounds = array<i64: 32>, scalar_prefetch = 0 : i64, scratch_operands = 0 : i64, tpu.core_type = #tpu.core_type<tc>, window_params = [{transform_indices = @transform_0, window_bounds = array<i64: 512, 128>}, {transform_indices = @transform_1, window_bounds = array<i64: 512, 64>}, {transform_indices = @transform_2, window_bounds = array<i64: 512, 512>}, {pipeline_mode = #tpu.pipeline_mode<synchronous>, transform_indices = @transform_3, window_bounds = array<i64: 64, 128>}, {pipeline_mode = #tpu.pipeline_mode<synchronous>, transform_indices = @transform_4, window_bounds = array<i64: 1, 128>}, {pipeline_mode = #tpu.pipeline_mode<synchronous>, transform_indices = @transform_5, window_bounds = array<i64: 1, 128>}, {pipeline_mode = #tpu.pipeline_mode<synchronous>, transform_indices = @transform_6, window_bounds = array<i64: 1, 128>}, {pipeline_mode = #tpu.pipeline_mode<synchronous>, transform_indices = @transform_7, window_bounds = array<i64: 1, 128>}, {pipeline_mode = #tpu.pipeline_mode<synchronous>, transform_indices = @transform_8, window_bounds = array<i64: 1, 128>}, {pipeline_mode = #tpu.pipeline_mode<synchronous>, transform_indices = @transform_9, window_bounds = array<i64: 128, 256>}, {pipeline_mode = #tpu.pipeline_mode<synchronous>, transform_indices = @transform_10, window_bounds = array<i64: 1, 256>}, {pipeline_mode = #tpu.pipeline_mode<synchronous>, transform_indices = @transform_11, window_bounds = array<i64: 1, 256>}, {pipeline_mode = #tpu.pipeline_mode<synchronous>, transform_indices = @transform_12, window_bounds = array<i64: 1, 256>}, {pipeline_mode = #tpu.pipeline_mode<synchronous>, transform_indices = @transform_13, window_bounds = array<i64: 1, 256>}, {pipeline_mode = #tpu.pipeline_mode<synchronous>, transform_indices = @transform_14, window_bounds = array<i64: 1, 256>}, {pipeline_mode = #tpu.pipeline_mode<synchronous>, transform_indices = @transform_15, window_bounds = array<i64: 256, 512>}, {pipeline_mode = #tpu.pipeline_mode<synchronous>, transform_indices = @transform_16, window_bounds = array<i64: 1, 512>}, {transform_indices = @transform_17, window_bounds = array<i64: 512, 512>}, {pipeline_mode = #tpu.pipeline_mode<synchronous>, transform_indices = @transform_18, window_bounds = array<i64: 1, 1>}, {pipeline_mode = #tpu.pipeline_mode<synchronous>, transform_indices = @transform_19, window_bounds = array<i64: 1, 1>}]} {
    %get3A = arith.constant 0 : index
    %get3A_0 = arith.constant 0 : index
    %get3A_1 = vector.load %arg1[%get3A, %get3A_0] : memref<512x128xf32, #tpu.memory_space<vmem>>, vector<512x128xf32>
    %slice3A = vector.extract_strided_slice %get3A_1 {offsets = [0, 0], sizes = [512, 64], strides = [1, 1]} : vector<512x128xf32> to vector<512x64xf32>
    %get3A_2 = arith.constant 0 : index
    %get3A_3 = arith.constant 0 : index
    %get3A_4 = vector.load %arg2[%get3A_2, %get3A_3] : memref<512x64xf32, #tpu.memory_space<vmem>>, vector<512x64xf32>
    %sub3A = arith.subf %slice3A, %get3A_4 : vector<512x64xf32>
    %add3A = arith.addf %get3A_4, %sub3A : vector<512x64xf32>
    %get3A_5 = arith.constant 0 : index
    %get3A_6 = arith.constant 0 : index
    %get3A_7 = vector.load %arg4[%get3A_5, %get3A_6] : memref<64x128xbf16, #tpu.memory_space<vmem>>, vector<64x128xbf16>
    %convert_element_type3A = arith.truncf %add3A : vector<512x64xf32> to vector<512x64xbf16>
    %dot_general3A = arith.constant dense<0.000000e+00> : vector<512x128xf32>
    %dot_general3A_8 = tpu.matmul %convert_element_type3A, %get3A_7, %dot_general3A {dimension_numbers = #tpu.dot_dimension_numbers<[1], [0], [0], [1], [0, 0, 1, 1], [], []>, transpose_lhs_hint = false} : vector<512x64xbf16>, vector<64x128xbf16>, vector<512x128xf32> -> vector<512x128xf32>
    %get3A_9 = arith.constant 0 : index
    %get3A_10 = arith.constant 0 : index
    %get3A_11 = vector.load %arg5[%get3A_9, %get3A_10] : memref<1x128xf32, #tpu.memory_space<vmem>>, vector<1x128xf32>
    %add3A_12 = vector.broadcast %get3A_11 : vector<1x128xf32> to vector<512x128xf32>
    %add3A_13 = arith.addf %dot_general3A_8, %add3A_12 : vector<512x128xf32>
    %max3A = arith.constant 0.000000e+00 : f32
    %max3A_14 = vector.broadcast %max3A : f32 to vector<512x128xf32>
    %max3A_15 = arith.maximumf %add3A_13, %max3A_14 : vector<512x128xf32>
    %get3A_16 = arith.constant 0 : index
    %get3A_17 = arith.constant 0 : index
    %get3A_18 = vector.load %arg8[%get3A_16, %get3A_17] : memref<1x128xf32, #tpu.memory_space<vmem>>, vector<1x128xf32>
    %sub3A_19 = vector.broadcast %get3A_18 : vector<1x128xf32> to vector<512x128xf32>
    %sub3A_20 = arith.subf %max3A_15, %sub3A_19 : vector<512x128xf32>
    %get3A_21 = arith.constant 0 : index
    %get3A_22 = arith.constant 0 : index
    %get3A_23 = vector.load %arg9[%get3A_21, %get3A_22] : memref<1x128xf32, #tpu.memory_space<vmem>>, vector<1x128xf32>
    %add3A_24 = arith.constant 9.99999974E-6 : f32
    %add3A_25 = vector.broadcast %add3A_24 : f32 to vector<1x128xf32>
    %add3A_26 = arith.addf %get3A_23, %add3A_25 : vector<1x128xf32>
    %sqrt3A = math.sqrt %add3A_26 : vector<1x128xf32>
    %div3A = vector.broadcast %sqrt3A : vector<1x128xf32> to vector<512x128xf32>
    %div3A_27 = arith.divf %sub3A_20, %div3A : vector<512x128xf32>
    %get3A_28 = arith.constant 0 : index
    %get3A_29 = arith.constant 0 : index
    %get3A_30 = vector.load %arg6[%get3A_28, %get3A_29] : memref<1x128xf32, #tpu.memory_space<vmem>>, vector<1x128xf32>
    %mul3A = vector.broadcast %get3A_30 : vector<1x128xf32> to vector<512x128xf32>
    %mul3A_31 = arith.mulf %div3A_27, %mul3A : vector<512x128xf32>
    %get3A_32 = arith.constant 0 : index
    %get3A_33 = arith.constant 0 : index
    %get3A_34 = vector.load %arg7[%get3A_32, %get3A_33] : memref<1x128xf32, #tpu.memory_space<vmem>>, vector<1x128xf32>
    %add3A_35 = vector.broadcast %get3A_34 : vector<1x128xf32> to vector<512x128xf32>
    %add3A_36 = arith.addf %mul3A_31, %add3A_35 : vector<512x128xf32>
    %get3A_37 = arith.constant 0 : index
    %get3A_38 = arith.constant 0 : index
    %get3A_39 = vector.load %arg10[%get3A_37, %get3A_38] : memref<128x256xbf16, #tpu.memory_space<vmem>>, vector<128x256xbf16>
    %convert_element_type3A_40 = arith.truncf %add3A_36 : vector<512x128xf32> to vector<512x128xbf16>
    %dot_general3A_41 = arith.constant dense<0.000000e+00> : vector<512x256xf32>
    %dot_general3A_42 = tpu.matmul %convert_element_type3A_40, %get3A_39, %dot_general3A_41 {dimension_numbers = #tpu.dot_dimension_numbers<[1], [0], [0], [1], [0, 0, 1, 1], [], []>, transpose_lhs_hint = false} : vector<512x128xbf16>, vector<128x256xbf16>, vector<512x256xf32> -> vector<512x256xf32>
    %get3A_43 = arith.constant 0 : index
    %get3A_44 = arith.constant 0 : index
    %get3A_45 = vector.load %arg11[%get3A_43, %get3A_44] : memref<1x256xf32, #tpu.memory_space<vmem>>, vector<1x256xf32>
    %add3A_46 = vector.broadcast %get3A_45 : vector<1x256xf32> to vector<512x256xf32>
    %add3A_47 = arith.addf %dot_general3A_42, %add3A_46 : vector<512x256xf32>
    %max3A_48 = arith.constant 0.000000e+00 : f32
    %max3A_49 = vector.broadcast %max3A_48 : f32 to vector<512x256xf32>
    %max3A_50 = arith.maximumf %add3A_47, %max3A_49 : vector<512x256xf32>
    %get3A_51 = arith.constant 0 : index
    %get3A_52 = arith.constant 0 : index
    %get3A_53 = vector.load %arg14[%get3A_51, %get3A_52] : memref<1x256xf32, #tpu.memory_space<vmem>>, vector<1x256xf32>
    %sub3A_54 = vector.broadcast %get3A_53 : vector<1x256xf32> to vector<512x256xf32>
    %sub3A_55 = arith.subf %max3A_50, %sub3A_54 : vector<512x256xf32>
    %get3A_56 = arith.constant 0 : index
    %get3A_57 = arith.constant 0 : index
    %get3A_58 = vector.load %arg15[%get3A_56, %get3A_57] : memref<1x256xf32, #tpu.memory_space<vmem>>, vector<1x256xf32>
    %add3A_59 = arith.constant 9.99999974E-6 : f32
    %add3A_60 = vector.broadcast %add3A_59 : f32 to vector<1x256xf32>
    %add3A_61 = arith.addf %get3A_58, %add3A_60 : vector<1x256xf32>
    %sqrt3A_62 = math.sqrt %add3A_61 : vector<1x256xf32>
    %div3A_63 = vector.broadcast %sqrt3A_62 : vector<1x256xf32> to vector<512x256xf32>
    %div3A_64 = arith.divf %sub3A_55, %div3A_63 : vector<512x256xf32>
    %get3A_65 = arith.constant 0 : index
    %get3A_66 = arith.constant 0 : index
    %get3A_67 = vector.load %arg12[%get3A_65, %get3A_66] : memref<1x256xf32, #tpu.memory_space<vmem>>, vector<1x256xf32>
    %mul3A_68 = vector.broadcast %get3A_67 : vector<1x256xf32> to vector<512x256xf32>
    %mul3A_69 = arith.mulf %div3A_64, %mul3A_68 : vector<512x256xf32>
    %get3A_70 = arith.constant 0 : index
    %get3A_71 = arith.constant 0 : index
    %get3A_72 = vector.load %arg13[%get3A_70, %get3A_71] : memref<1x256xf32, #tpu.memory_space<vmem>>, vector<1x256xf32>
    %add3A_73 = vector.broadcast %get3A_72 : vector<1x256xf32> to vector<512x256xf32>
    %add3A_74 = arith.addf %mul3A_69, %add3A_73 : vector<512x256xf32>
    %get3A_75 = arith.constant 0 : index
    %get3A_76 = arith.constant 0 : index
    %get3A_77 = vector.load %arg16[%get3A_75, %get3A_76] : memref<256x512xbf16, #tpu.memory_space<vmem>>, vector<256x512xbf16>
    %convert_element_type3A_78 = arith.truncf %add3A_74 : vector<512x256xf32> to vector<512x256xbf16>
    %dot_general3A_79 = arith.constant dense<0.000000e+00> : vector<512x512xf32>
    %dot_general3A_80 = tpu.matmul %convert_element_type3A_78, %get3A_77, %dot_general3A_79 {dimension_numbers = #tpu.dot_dimension_numbers<[1], [0], [0], [1], [0, 0, 1, 1], [], []>, transpose_lhs_hint = false} : vector<512x256xbf16>, vector<256x512xbf16>, vector<512x512xf32> -> vector<512x512xf32>
    %get3A_81 = arith.constant 0 : index
    %get3A_82 = arith.constant 0 : index
    %get3A_83 = vector.load %arg17[%get3A_81, %get3A_82] : memref<1x512xf32, #tpu.memory_space<vmem>>, vector<1x512xf32>
    %add3A_84 = vector.broadcast %get3A_83 : vector<1x512xf32> to vector<512x512xf32>
    %add3A_85 = arith.addf %dot_general3A_80, %add3A_84 : vector<512x512xf32>
    %swap3A = arith.constant 0 : index
    %swap3A_86 = arith.constant 0 : index
    %swap3A_87 = vector.load %arg18[%swap3A, %swap3A_86] : memref<512x512xf32, #tpu.memory_space<vmem>>, vector<512x512xf32>
    tpu.vector_store %arg18[%swap3A, %swap3A_86], %add3A_85 {strides = array<i32>} : memref<512x512xf32, #tpu.memory_space<vmem>>, vector<512x512xf32>,
    %sub3A_88 = arith.subf %slice3A, %get3A_4 : vector<512x64xf32>
    %get3A_89 = arith.constant 0 : index
    %get3A_90 = arith.constant 0 : index
    %get3A_91 = vector.load %arg3[%get3A_89, %get3A_90] : memref<512x512xf32, #tpu.memory_space<vmem>>, vector<512x512xf32>
    %sub3A_92 = arith.subf %add3A_85, %get3A_91 : vector<512x512xf32>
    %eq3A = arith.constant 0 : i32
    %eq3A_93 = arith.cmpi eq, %arg0, %eq3A : i32
    %convert_element_type3A_94 = arith.extui %eq3A_93 : i1 to i32
    %cond3A = arith.constant 0 : i32
    %cond3A_95 = arith.cmpi ne, %convert_element_type3A_94, %cond3A : i32
    scf.if %cond3A_95 {
      %broadcast_in_dim3A_122 = arith.constant 0.000000e+00 : f32
      %broadcast_in_dim3A_123 = vector.broadcast %broadcast_in_dim3A_122 : f32 to vector<1x1xf32>
      %swap3A_124 = arith.constant 0 : index
      %swap3A_125 = arith.constant 0 : index
      %swap3A_126 = vector.load %arg19[%swap3A_124, %swap3A_125] : memref<1x1xf32, #tpu.memory_space<vmem>>, vector<1x1xf32>
      tpu.vector_store %arg19[%swap3A_124, %swap3A_125], %broadcast_in_dim3A_123 {strides = array<i32>} : memref<1x1xf32, #tpu.memory_space<vmem>>, vector<1x1xf32>,
      %broadcast_in_dim3A_127 = arith.constant 0.000000e+00 : f32
      %broadcast_in_dim3A_128 = vector.broadcast %broadcast_in_dim3A_127 : f32 to vector<1x1xf32>
      %swap3A_129 = arith.constant 0 : index
      %swap3A_130 = arith.constant 0 : index
      %swap3A_131 = vector.load %arg20[%swap3A_129, %swap3A_130] : memref<1x1xf32, #tpu.memory_space<vmem>>, vector<1x1xf32>
      tpu.vector_store %arg20[%swap3A_129, %swap3A_130], %broadcast_in_dim3A_128 {strides = array<i32>} : memref<1x1xf32, #tpu.memory_space<vmem>>, vector<1x1xf32>,
    } else {
    }
    %get3A_96 = arith.constant 0 : index
    %get3A_97 = arith.constant 0 : index
    %get3A_98 = vector.load %arg19[%get3A_96, %get3A_97] : memref<1x1xf32, #tpu.memory_space<vmem>>, vector<1x1xf32>
    %mul3A_99 = arith.mulf %sub3A_88, %sub3A_88 : vector<512x64xf32>
    %reduce_sum3A = vector.shape_cast %mul3A_99 : vector<512x64xf32> to vector<1x512x64xf32>
    %reduce_sum3A_100 = arith.constant dense<0.000000e+00> : vector<1xf32>
    %reduce_sum3A_101 = vector.multi_reduction <add>, %reduce_sum3A, %reduce_sum3A_100 [1, 2] : vector<1x512x64xf32> to vector<1xf32>
    %reduce_sum3A_102 = vector.shape_cast %reduce_sum3A_101 : vector<1xf32> to vector<1x1x1xf32>
    %reduce_sum3A_103 = vector.extract %reduce_sum3A_102[0, 0, 0] : f32 from vector<1x1x1xf32>
    %broadcast_in_dim3A = vector.broadcast %reduce_sum3A_103 : f32 to vector<1x1xf32>
    %add3A_104 = arith.addf %get3A_98, %broadcast_in_dim3A : vector<1x1xf32>
    %swap3A_105 = arith.constant 0 : index
    %swap3A_106 = arith.constant 0 : index
    %swap3A_107 = vector.load %arg19[%swap3A_105, %swap3A_106] : memref<1x1xf32, #tpu.memory_space<vmem>>, vector<1x1xf32>
    tpu.vector_store %arg19[%swap3A_105, %swap3A_106], %add3A_104 {strides = array<i32>} : memref<1x1xf32, #tpu.memory_space<vmem>>, vector<1x1xf32>,
    %get3A_108 = arith.constant 0 : index
    %get3A_109 = arith.constant 0 : index
    %get3A_110 = vector.load %arg20[%get3A_108, %get3A_109] : memref<1x1xf32, #tpu.memory_space<vmem>>, vector<1x1xf32>
    %mul3A_111 = arith.mulf %sub3A_92, %sub3A_92 : vector<512x512xf32>
    %reduce_sum3A_112 = vector.shape_cast %mul3A_111 : vector<512x512xf32> to vector<1x512x512xf32>
    %reduce_sum3A_113 = arith.constant dense<0.000000e+00> : vector<1xf32>
    %reduce_sum3A_114 = vector.multi_reduction <add>, %reduce_sum3A_112, %reduce_sum3A_113 [1, 2] : vector<1x512x512xf32> to vector<1xf32>
    %reduce_sum3A_115 = vector.shape_cast %reduce_sum3A_114 : vector<1xf32> to vector<1x1x1xf32>
    %reduce_sum3A_116 = vector.extract %reduce_sum3A_115[0, 0, 0] : f32 from vector<1x1x1xf32>
    %broadcast_in_dim3A_117 = vector.broadcast %reduce_sum3A_116 : f32 to vector<1x1xf32>
    %add3A_118 = arith.addf %get3A_110, %broadcast_in_dim3A_117 : vector<1x1xf32>
    %swap3A_119 = arith.constant 0 : index
    %swap3A_120 = arith.constant 0 : index
    %swap3A_121 = vector.load %arg20[%swap3A_119, %swap3A_120] : memref<1x1xf32, #tpu.memory_space<vmem>>, vector<1x1xf32>
    tpu.vector_store %arg20[%swap3A_119, %swap3A_120], %add3A_118 {strides = array<i32>} : memref<1x1xf32, #tpu.memory_space<vmem>>, vector<1x1xf32>,
    return
  }
  func.func @transform_0(%arg0: i32) -> (i32, i32) {
    %c0_i32 = arith.constant 0 : i32
    %c0_i32_0 = arith.constant 0 : i32
    return %arg0, %c0_i32 : i32, i32
  }
  func.func @transform_1(%arg0: i32) -> (i32, i32) {
    %c0_i32 = arith.constant 0 : i32
    %c0_i32_0 = arith.constant 0 : i32
    return %arg0, %c0_i32 : i32, i32
  }
  func.func @transform_2(%arg0: i32) -> (i32, i32) {
    %c0_i32 = arith.constant 0 : i32
    %c0_i32_0 = arith.constant 0 : i32
    return %arg0, %c0_i32 : i32, i32
  }
  func.func @transform_3(%arg0: i32) -> (i32, i32) {
    %c0_i32 = arith.constant 0 : i32
    %c0_i32_0 = arith.constant 0 : i32
    %c0_i32_1 = arith.constant 0 : i32
    return %c0_i32, %c0_i32_0 : i32, i32
  }
  func.func @transform_4(%arg0: i32) -> (i32, i32) {
    %c0_i32 = arith.constant 0 : i32
    %c0_i32_0 = arith.constant 0 : i32
    %c0_i32_1 = arith.constant 0 : i32
    return %c0_i32, %c0_i32_0 : i32, i32
  }
  func.func @transform_5(%arg0: i32) -> (i32, i32) {
    %c0_i32 = arith.constant 0 : i32
    %c0_i32_0 = arith.constant 0 : i32
    %c0_i32_1 = arith.constant 0 : i32
    return %c0_i32, %c0_i32_0 : i32, i32
  }
  func.func @transform_6(%arg0: i32) -> (i32, i32) {
    %c0_i32 = arith.constant 0 : i32
    %c0_i32_0 = arith.constant 0 : i32
    %c0_i32_1 = arith.constant 0 : i32
    return %c0_i32, %c0_i32_0 : i32, i32
  }
  func.func @transform_7(%arg0: i32) -> (i32, i32) {
    %c0_i32 = arith.constant 0 : i32
    %c0_i32_0 = arith.constant 0 : i32
    %c0_i32_1 = arith.constant 0 : i32
    return %c0_i32, %c0_i32_0 : i32, i32
  }
  func.func @transform_8(%arg0: i32) -> (i32, i32) {
    %c0_i32 = arith.constant 0 : i32
    %c0_i32_0 = arith.constant 0 : i32
    %c0_i32_1 = arith.constant 0 : i32
    return %c0_i32, %c0_i32_0 : i32, i32
  }
  func.func @transform_9(%arg0: i32) -> (i32, i32) {
    %c0_i32 = arith.constant 0 : i32
    %c0_i32_0 = arith.constant 0 : i32
    %c0_i32_1 = arith.constant 0 : i32
    return %c0_i32, %c0_i32_0 : i32, i32
  }
  func.func @transform_10(%arg0: i32) -> (i32, i32) {
    %c0_i32 = arith.constant 0 : i32
    %c0_i32_0 = arith.constant 0 : i32
    %c0_i32_1 = arith.constant 0 : i32
    return %c0_i32, %c0_i32_0 : i32, i32
  }
  func.func @transform_11(%arg0: i32) -> (i32, i32) {
    %c0_i32 = arith.constant 0 : i32
    %c0_i32_0 = arith.constant 0 : i32
    %c0_i32_1 = arith.constant 0 : i32
    return %c0_i32, %c0_i32_0 : i32, i32
  }
  func.func @transform_12(%arg0: i32) -> (i32, i32) {
    %c0_i32 = arith.constant 0 : i32
    %c0_i32_0 = arith.constant 0 : i32
    %c0_i32_1 = arith.constant 0 : i32
    return %c0_i32, %c0_i32_0 : i32, i32
  }
  func.func @transform_13(%arg0: i32) -> (i32, i32) {
    %c0_i32 = arith.constant 0 : i32
    %c0_i32_0 = arith.constant 0 : i32
    %c0_i32_1 = arith.constant 0 : i32
    return %c0_i32, %c0_i32_0 : i32, i32
  }
  func.func @transform_14(%arg0: i32) -> (i32, i32) {
    %c0_i32 = arith.constant 0 : i32
    %c0_i32_0 = arith.constant 0 : i32
    %c0_i32_1 = arith.constant 0 : i32
    return %c0_i32, %c0_i32_0 : i32, i32
  }
  func.func @transform_15(%arg0: i32) -> (i32, i32) {
    %c0_i32 = arith.constant 0 : i32
    %c0_i32_0 = arith.constant 0 : i32
    %c0_i32_1 = arith.constant 0 : i32
    return %c0_i32, %c0_i32_0 : i32, i32
  }
  func.func @transform_16(%arg0: i32) -> (i32, i32) {
    %c0_i32 = arith.constant 0 : i32
    %c0_i32_0 = arith.constant 0 : i32
    %c0_i32_1 = arith.constant 0 : i32
    return %c0_i32, %c0_i32_0 : i32, i32
  }
  func.func @transform_17(%arg0: i32) -> (i32, i32) {
    %c0_i32 = arith.constant 0 : i32
    %c0_i32_0 = arith.constant 0 : i32
    return %arg0, %c0_i32 : i32, i32
  }
  func.func @transform_18(%arg0: i32) -> (i32, i32) {
    %c0_i32 = arith.constant 0 : i32
    %c0_i32_0 = arith.constant 0 : i32
    %c0_i32_1 = arith.constant 0 : i32
    return %c0_i32, %c0_i32_0 : i32, i32
  }
  func.func @transform_19(%arg0: i32) -> (i32, i32) {
    %c0_i32 = arith.constant 0 : i32
    %c0_i32_0 = arith.constant 0 : i32
    %c0_i32_1 = arith.constant 0 : i32
    return %c0_i32, %c0_i32_0 : i32, i32
  }
}

</mosaic_0001>

<sc_bundles>
// kernel: kernel.6.cloned.1.call-start
scs
__scs_entry_jumppad:
0x0: {  	(pc) =	sbr.rel $0x88, $3  }
0x1: {  	(tag) =	ssettag $0x0;
	lr =	simm.s32 $0x1  }
0x2: {  	[smem:$0x3F83] =	sst lr;
	_ =	strace $0xD0000000  }
0x3: {  	_ = 	snop  }
0x4: {  	_ = 	snop  }
0x5: {  	_ = 	snop  }
0x6: {  	_ = 	snop  }
0x7: {  	_ = 	snop  }
__scs_overlays_trampoline_lowered:
0x8: {  	[smem:$0x3F92] =	sst s0  }
0x9: {  	[smem:$0x3F93] =	sst s1  }
0xa: {  	[smem:$0x3F94] =	sst s2  }
0xb: {  	[smem:$0x3F95] =	sst s3  }
0xc: {  	[smem:$0x3F96] =	sst s4  }
0xd: {  	[smem:$0x3F97] =	sst s5  }
0xe: {  	[smem:$0x3F98] =	sst s6  }
0xf: {  	[smem:$0x3F99] =	sst s7  }
0x10: {  	[smem:$0x3F9A] =	sst s8  }
0x11: {  	[smem:$0x3F9B] =	sst s9;
	s0 =	simm.s32 @!p0 $0x0  }
0x12: {  	s1 =	sld [smem:$0x3F81];
	s0 =	simm.s32 @p0 $0x1  }
0x13: {  	[smem:$0x3F9C] =	sst s0;
	s0 =	simm.s32 @!p1 $0x0  }
0x14: {  	s2 =	sld [smem:$0x3F80];
	s0 =	simm.s32 @p1 $0x1  }
0x15: {  	[smem:$0x3F9D] =	sst s0;
	s0 =	simm.s32 @!p2 $0x0  }
0x16: {  	s3 =	sld [smem:$0x3FDB];
	s0 =	simm.s32 @p2 $0x1  }
0x17: {  	s4 =	simm.s32 $0x1BF5;
	[smem:$0x3F9F] =	sst s0  }
0x18: {  	s0 =	sld [smem:$0x3F82];
	_ =	swait.ge [sflag:s4], $0x0  }
0x19: {  	s7 =	sld [smem:$0x3F83]  }
0x1a: {  	s8 =	sadd.s32 $0xFFFFE003, lr  }
0x1b: {  	s9 =	sadd.s32 $0xFFFFFEF7, lr;
	s5 =	simm.s32 $0xFFFFFFFF;
	p2 =	slt.u32 s8, $0xFFFFF086  }
0x1c: {  	p1 =	slt.u32 s9, $0xF7A;
	s5 =	simm.s32 @!p2 $0x0  }
0x1d: {  	s5 =	simm.s32 @p1 $0x1;
	p0 =	seq.s32 s7, s2  }
0x1e: {  	s7 =	smul.u32 @!p0 $0xF7A, s2;
	p2 =	seq.s32 @!p0 s5, $0x0  }
0x1f: {  	s9 =	smul.u32 $0xF7A, s1;
	s8 =	simm.s32 @!p0 $0x1BF5;
	p2 =	por !p2, p0  }
0x20: {  	[sflag:s8] =	ssyncset.s32 @!p0 $0xFFFFF086;
	s6 =	sadd.s32 @!p0 s3, s7;
	s7 =	simm.s32 @!p0 $0x108  }
0x21: {  	s3 =	sadd.s32 s3, s9;
	s6 =	sadd.s32 @!p0 $0x88, s6;
	s7 =	simm.s32 @p2 $0x1082  }
0x22: {  	[simem:s7], [sflag:s8] =	dma.local @!p0 [hbm:s6], $0xF7A  }
0x23: {  	s9 =	sor.u32 $0xD0000000, s2;
	s6 =	simm.s32 $0x108;
	_ =	swait.ge @!p0 [sflag:s8], $0x0  }
0x24: {  	s3 =	sadd.s32 $0x88, s3;
	s6 =	simm.s32 @!p1 $0x1082;
	[sflag:s4] =	ssyncset.s32 $0xFFFFF086  }
0x25: {  	[simem:s6], [sflag:s4] =	dma.local [hbm:s3], $0xF7A  }
0x26: {  	[smem:$0x3F83] =	sst s1;
	(tag) =	ssettag s2;
	_ =	strace s9  }
0x27: {  	s1 =	sld [smem:$0x3F93]  }
0x28: {  	s2 =	sld [smem:$0x3F94]  }
0x29: {  	s4 =	sld [smem:$0x3F96]  }
0x2a: {  	p0 =	seq.s32 s5, $0x0;
	s5 =	sld [smem:$0x3F97]  }
0x2b: {  	s6 =	sld [smem:$0x3F98]  }
0x2c: {  	s7 =	sld [smem:$0x3F99]  }
0x2d: {  	s3 =	simm.s32 $0x108;
	s8 =	sld [smem:$0x3F9A]  }
0x2e: {  	s3 =	simm.s32 @!p0 $0x1082;
	s9 =	sld [smem:$0x3F9B]  }
0x2f: {  	lr =	sadd.s32 s0, s3;
	s0 =	sld [smem:$0x3F92]  }
0x30: {  	s3 =	sld [smem:$0x3F95]  }
0x31: {  	[smem:$0x3F9E] =	sst s10  }
0x32: {  	s10 =	sld [smem:$0x3F9C];
	_ =	sdelay $0x3  }
0x33: {  	p0 =	seq.s32 s10, $0x1;
	s10 =	sld [smem:$0x3F9E];
	_ =	sdelay $0x3  }
0x34: {  	[smem:$0x3F9E] =	sst s10  }
0x35: {  	s10 =	sld [smem:$0x3F9D];
	_ =	sdelay $0x3  }
0x36: {  	p1 =	seq.s32 s10, $0x1;
	s10 =	sld [smem:$0x3F9E];
	_ =	sdelay $0x3  }
0x37: {  	[smem:$0x3F9E] =	sst s10  }
0x38: {  	s10 =	sld [smem:$0x3F9F]  }
0x39: {  	_ = 	snop;
	(pc) =	sbr.ind lr, $3  }
0x3a: {  	_ = 	snop  }
0x3b: {  	_ = 	snop  }
0x3c: {  	p2 =	seq.s32 s10, $0x1;
	s10 =	sld [smem:$0x3F9E]  }
0x3d: {  	_ =	shalt  }
0x3e: {  	_ =	shalt  }
0x3f: {  	_ =	shalt  }
0x40: {  	_ =	shalt  }
0x41: {  	_ =	shalt  }
0x42: {  	_ =	shalt  }
0x43: {  	_ =	shalt  }
0x44: {  	_ =	shalt  }
0x45: {  	_ =	shalt  }
0x46: {  	_ =	shalt  }
0x47: {  	_ =	shalt  }
0x48: {  	_ =	shalt  }
0x49: {  	_ =	shalt  }
0x4a: {  	_ =	shalt  }
0x4b: {  	_ =	shalt  }
0x4c: {  	_ =	shalt  }
0x4d: {  	_ =	shalt  }
0x4e: {  	_ =	shalt  }
0x4f: {  	_ =	shalt  }
0x50: {  	_ =	shalt  }
0x51: {  	_ =	shalt  }
0x52: {  	_ =	shalt  }
0x53: {  	_ =	shalt  }
0x54: {  	_ =	shalt  }
0x55: {  	_ =	shalt  }
0x56: {  	_ =	shalt  }
0x57: {  	_ =	shalt  }
0x58: {  	_ =	shalt  }
0x59: {  	_ =	shalt  }
0x5a: {  	_ =	shalt  }
0x5b: {  	_ =	shalt  }
0x5c: {  	_ =	shalt  }
0x5d: {  	_ =	shalt  }
0x5e: {  	_ =	shalt  }
0x5f: {  	_ =	shalt  }
0x60: {  	_ =	shalt  }
0x61: {  	_ =	shalt  }
0x62: {  	_ =	shalt  }
0x63: {  	_ =	shalt  }
0x64: {  	_ =	shalt  }
0x65: {  	_ =	shalt  }
0x66: {  	_ =	shalt  }
0x67: {  	_ =	shalt  }
0x68: {  	_ =	shalt  }
0x69: {  	_ =	shalt  }
0x6a: {  	_ =	shalt  }
0x6b: {  	_ =	shalt  }
0x6c: {  	_ =	shalt  }
0x6d: {  	_ =	shalt  }
0x6e: {  	_ =	shalt  }
0x6f: {  	_ =	shalt  }
0x70: {  	_ =	shalt  }
0x71: {  	_ =	shalt  }
0x72: {  	_ =	shalt  }
0x73: {  	_ =	shalt  }
0x74: {  	_ =	shalt  }
0x75: {  	_ =	shalt  }
0x76: {  	_ =	shalt  }
0x77: {  	_ =	shalt  }
0x78: {  	_ =	shalt  }
0x79: {  	_ =	shalt  }
0x7a: {  	_ =	shalt  }
0x7b: {  	_ =	shalt  }
0x7c: {  	_ =	shalt  }
0x7d: {  	_ =	shalt  }
0x7e: {  	_ =	shalt  }
0x7f: {  	_ =	shalt  }
0x80: {  	_ =	shalt  }
0x81: {  	_ =	shalt  }
0x82: {  	_ =	shalt  }
0x83: {  	_ =	shalt  }
0x84: {  	_ =	shalt  }
0x85: {  	_ =	shalt  }
0x86: {  	_ =	shalt  }
0x87: {  	_ =	shalt  }
.Lfunc_end0:
.L_simem_size_0:
called_computation_lowered:
.L_overlay_start_0:
0x88: {  	s2 =	sld [smem:$0x3FD9]  }
0x89: {  	s3 =	sld [smem:$0x3FFE];
	_ =	sdelay $0x1  }
0x8a: {  	s1 =	srdreg.scid  }
0x8b: {  	s0 =	sand.u32 $0x1, s1  }
0x8c: {  	s14 =	sshll.u32 s0, $0xA;
	s2 =	sadd.s32 s3, s2  }
0x8d: {  	s2 =	sadd.s32 s2, s14  }
0x8e: {  	[smem:$0x3FAA] =	sst s2  }
0x8f: {  	_ = 	snop  }
0x90: {  	s2 =	sld [smem:$0x3FD0];
	_ =	sdelay $0x2  }
0x91: {  	s15 =	simm.s32 $0xA;
	s4 =	simm.s32 $0x10  }
0x92: {  	[smem:s4], [sflag:s15] =	dma.local [hbm:s2], $0x1  }
0x93: {  	_ =	swait.eq [sflag:s15], $0x1  }
0x94: {  	[sflag:s15] =	ssyncset.done $0x0  }
0x95: {  	s16 =	sld [smem:$0x10];
	[sflag:s15] =	ssyncadd.s32 $0xFFFFFFFF  }
0x96: {  	s17 =	sld [smem:$0x12];
	(tm) =	ssettm $0x1  }
0x97: {  	s18 =	sld [smem:$0x3FFB];
	_ =	sdelay $0x3  }
0x98: {  	_ =	strace s18  }
0x99: {  	s4 =	sld [smem:$0x3FFC];
	_ =	sdelay $0x3  }
0x9a: {  	_ =	strace s4  }
0x9b: {  	s4 =	sld [smem:$0x3FFD];
	_ =	sdelay $0x3  }
0x9c: {  	_ =	strace s4  }
0x9d: {  	_ =	strace $0x8FFFFFFF  }
0x9e: {  	s19 =	sld [smem:$0x3FDB];
	_ =	sdelay $0x1  }
0x9f: {  	s5 =	simm.s32 $_scs_section_size  }
0xa0: {  	s6 =	simm.s32 $_size__tile_overlayer_lowered;
	s7 =	simm.s32 $_tile_overlayer_lowered  }
0xa1: {  	s22 =	simm.s32 $0x1BFF;
	s21 =	sshll.u32 s7, $0x1;
	s4 =	sadd.s32 s5, s19  }
0xa2: {  	s8 =	simm.s32 $0x0;
	s20 =	sshll.u32 s6, $0x1;
	s6 =	sadd.s32 s21, s4  }
0xa3: {  	[timem:s8], [sflag:s22] =	dma.local [hbm:s6], s20  }
0xa4: {  	_ =	swait.ge [sflag:s22], s20  }
0xa5: {  	s5 =	ssub.s32 $0x0, s20;
	[sflag:s22] =	ssyncset.done $0x0  }
0xa6: {  	[sflag:s22] =	ssyncadd.s32 s5;
	_ =	sdelay $0x1  }
0xa7: {  	s23 =	simm.s32 $0x1B8B  }
0xa8: {  	_ =	swait.ge [sflag:s23], $0x1  }
0xa9: {  	[sflag:s23] =	ssyncset.done $0x0  }
0xaa: {  	s25 =	simm.s32 $0x1B8E;
	s24 =	sld [smem:$0x3FFE];
	[sflag:s23] =	ssyncadd.s32 $0xFFFFFFFF  }
0xab: {  	s26 =	simm.s32 $execute0_lowered;
	[smem:$0x3FD2] =	sst s25  }
0xac: {  	s6 =	sshll.u32 s26, $0x1;
	_ =	strace $0x80000046;
	[dreg:$0x1] =	wrdreg $0xFFFFFFFF  }
0xad: {  	s28 =	simm.s32 $_size_execute0_lowered;
	s4 =	sadd.s32 s4, s6;
	[dreg:$0x0] =	wrdreg $0x0  }
0xae: {  	s6 =	sshll.u32 s28, $0x1;
	[dreg:$0x2] =	wrdreg s4  }
0xaf: {  	[dreg:$0x3] =	wrdreg s6  }
0xb0: {  	[dreg:$0x4] =	wrdreg $0xC0  }
0xb1: {  	_ =	task [dreg:s8], $0x5FFFF  }
0xb2: {  	[dreg:$0x1] =	wrdreg $0xFFFFFFFF  }
0xb3: {  	[dreg:$0x0] =	wrdreg $0x60  }
0xb4: {  	[dreg:$0x2] =	wrdreg s24  }
0xb5: {  	[dreg:$0x3] =	wrdreg s17  }
0xb6: {  	[dreg:$0x4] =	wrdreg s16  }
0xb7: {  	[dreg:$0x5] =	wrdreg $0x9  }
0xb8: {  	_ =	task.clear_ibuf [dreg:s8], $0x6FFFF;
	_ =	strace $0x90000046  }
0xb9: {  	s29 =	simm.s32 $0x9;
	_ =	strace $0x80000048  }
0xba: {  	_ =	swait.ge [sflag:s29], $0x1  }
0xbb: {  	[sflag:s29] =	ssyncadd.s32 $0xFFFFFFFF  }
0xbc: {  	_ =	strace $0x90000048  }
0xbd: {  	_ =	sfence  }
0xbe: {  	s30 =	sld [smem:$0x0];
	_ =	sdelay $0x2  }
0xbf: {  	s31 =	sshll.u32 s1, $0xD;
	s1 =	sshrl.u32 s1, $0x2  }
0xc0: {  	s3 =	sand.u32 $0x4000, s31;
	s1 =	sadd.s32 s1, s30  }
0xc1: {  	s0 =	sor.u32 s3, s0;
	s1 =	sshll.u32 s1, $0x11  }
0xc2: {  	s0 =	sor.u32 s1, s0  }
0xc3: {  	s0 =	sadd.s32 $0x8F2B, s0  }
0xc4: {  	[sflag:s0] =	ssyncadd.remote.s32 $0x1  }
0xc5: {  	_ =	sfence.sel $0xFFFF  }
0xc6: {  	[dreg:$0x0] =	wrdreg $0xFFFFFFFF;
	(pc) =	sbr.abs _section_cstart, $3  }
0xc7: {  	[dreg:$0x1] =	wrdreg $0xFFFFFFFF  }
0xc8: {  	_ =	task.clear_ibuf [dreg:s8], $0x2FFFF;
	_ =	strace $0x9FFFFFFF  }
0xc9: {  	(tm) =	ssettm $0x7FFFFFFF  }
tec
execute0_lowered:
.L_overlay_start_1:
0x0: {  	(tag) =	ssettag $0x1  }
0x1: {  	s5 =	rddreg [dreg:$0x0];
	s1 =	srdreg.scid  }
0x2: {  	s3 =	rddreg [dreg:$0x1];
	s0 =	stileid.u32;
	s14 =	sand.u32 $0x1, s1  }
0x3: {  	s15 =	rddreg [dreg:$0x2];
	s4 =	sshll.u32 s0, $0xA;
	s6 =	sshll.u32 s14, $0x9  }
0x4: {  	s2 =	simm.s32 $0x0;
	s1 =	rddreg [dreg:$0x3];
	s16 =	sor.u32 s6, s4  }
0x5: {  	[smem:$0x7FF] =	sst s2;
	s4 =	sshrl.u32 s16, $0x3  }
0x6: {  	_ =	strace $0x80000047;
	s4 =	sadd.s32 s3, s4;
	s3 =	simm.s32 $0x2  }
0x7: {  	[tilespmem:s2], [sflag:$0x2] =	stream.linear.gather [hbm4b:s4+s2], $0x200, $0x38;
	[tilespmem:$0x10200] =	vst v63  }
0x8: {  	_ =	swait.ge [sflag:s3], $0x200  }
0x9: {  	s7 =	simm.s32 $0x200;
	[sflag:s3] =	ssyncset.done $0x0  }
0xa: {  	s5 =	sadd.s32 $0x3800, s5;
	s6 =	simm.s32 $0x80;
	[sflag:s3] =	ssyncadd.s32 $0xFFFFFE00  }
0xb: {  	[tilespmem:s7], [sflag:$0x1] =	stream.indirect.gather [hbm4b:s5+s6], $0x80, s2, s6, $0xb8;
	[tilespmem:$0x10200] =	vst v63  }
0xc: {  	s8 =	simm.s32 $0x4200  }
0xd: {  	[tilespmem:s8], [sflag:$0x1] =	stream.indirect.gather [hbm4b:s5+s6], $0x80, s6, s6, $0xb8;
	[tilespmem:$0x10200] =	vst v63  }
0xe: {  	s9 =	simm.s32 $0x100;
	s10 =	simm.s32 $0x8200  }
0xf: {  	[tilespmem:s10], [sflag:$0x1] =	stream.indirect.gather [hbm4b:s5+s6], $0x80, s9, s6, $0xb8;
	[tilespmem:$0x10200] =	vst v63  }
0x10: {  	s11 =	simm.s32 $0x180;
	s12 =	simm.s32 $0xC200;
	s13 =	simm.s32 $0x1  }
0x11: {  	[tilespmem:s12], [sflag:$0x1] =	stream.indirect.gather [hbm4b:s5+s6], $0x80, s11, s6, $0xb8;
	[tilespmem:$0x10200] =	vst v63  }
0x12: {  	_ =	swait.ge [sflag:s13], $0x4000  }
0x13: {  	[sflag:s13] =	ssyncset.done $0x0  }
0x14: {  	[sflag:s13] =	ssyncadd.s32 $0xFFFFC000  }
0x15: {  	_ =	swait.ge [sflag:s13], $0x4000  }
0x16: {  	[sflag:s13] =	ssyncset.done $0x0  }
0x17: {  	s14 =	ssub.s32 $0x2, s14;
	[sflag:s13] =	ssyncadd.s32 $0xFFFFC000  }
0x18: {  	s17 =	sshrl.u32 s14, $0x1;
	_ =	swait.ge [sflag:s13], $0x4000  }
0x19: {  	s17 =	ssub.s32 s14, s17;
	[sflag:s13] =	ssyncset.done $0x0  }
0x1a: {  	s31 =	smax.u32 s17, $0x1;
	[sflag:s13] =	ssyncadd.s32 $0xFFFFC000  }
0x1b: {  	p0 =	sne.s32 s31, $0x1;
	_ =	swait.ge [sflag:s13], $0x4000  }
.Ltmp0:
0x1c: {  	s30 =	sshll.u32 s16, $0x4;
	[sflag:s13] =	ssyncset.done $0x0;
	(pc) =	sbr.rel @!p0 .LBB2_2-.Ltmp0, $4  }
0x1d: {  	s14 =	sadd.s32 s15, s30;
	[sflag:s13] =	ssyncadd.s32 $0xFFFFC000  }
0x1e: {  	[hbm4b:s14+s2] =	stream.linear.scatter [tilespmem:s7], [sflag:$0x2], $0x10000, $0x38;
	[tilespmem:$0x10200] =	vst v63  }
0x1f: {  	_ =	swait.ge [sflag:s3], $0x10000  }
0x20: {  	s15 =	sadd.s32 $0xFFFFFFFF, s31;
	[sflag:s3] =	ssyncset.done $0x0  }
.LBB2_1:
0x21: {  	p0 =	sne.s32 s15, $0x1;
	s15 =	sadd.s32 $0xFFFFFFFF, s15;
	[sflag:s3] =	ssyncadd.s32 $0xFFFF0000  }
0x22: {  	[tilespmem:s2], [sflag:$0x2] =	stream.linear.gather [hbm4b:s4+s2], $0x200, $0x38;
	[tilespmem:$0x10200] =	vst v63  }
0x23: {  	_ =	swait.ge [sflag:s3], $0x200  }
0x24: {  	[sflag:s3] =	ssyncset.done $0x0  }
0x25: {  	[sflag:s3] =	ssyncadd.s32 $0xFFFFFE00  }
0x26: {  	[tilespmem:s7], [sflag:$0x1] =	stream.indirect.gather [hbm4b:s5+s6], $0x80, s2, s6, $0xb8;
	[tilespmem:$0x10200] =	vst v63  }
0x27: {  	_ = 	snop  }
0x28: {  	[tilespmem:s8], [sflag:$0x1] =	stream.indirect.gather [hbm4b:s5+s6], $0x80, s6, s6, $0xb8;
	[tilespmem:$0x10200] =	vst v63  }
0x29: {  	_ = 	snop  }
0x2a: {  	[tilespmem:s10], [sflag:$0x1] =	stream.indirect.gather [hbm4b:s5+s6], $0x80, s9, s6, $0xb8;
	[tilespmem:$0x10200] =	vst v63  }
0x2b: {  	_ = 	snop  }
0x2c: {  	[tilespmem:s12], [sflag:$0x1] =	stream.indirect.gather [hbm4b:s5+s6], $0x80, s11, s6, $0xb8;
	[tilespmem:$0x10200] =	vst v63  }
0x2d: {  	_ =	swait.ge [sflag:s13], $0x4000  }
0x2e: {  	[sflag:s13] =	ssyncset.done $0x0  }
0x2f: {  	[sflag:s13] =	ssyncadd.s32 $0xFFFFC000  }
0x30: {  	_ =	swait.ge [sflag:s13], $0x4000  }
0x31: {  	[sflag:s13] =	ssyncset.done $0x0  }
0x32: {  	[sflag:s13] =	ssyncadd.s32 $0xFFFFC000  }
0x33: {  	_ =	swait.ge [sflag:s13], $0x4000  }
0x34: {  	[sflag:s13] =	ssyncset.done $0x0  }
0x35: {  	[sflag:s13] =	ssyncadd.s32 $0xFFFFC000  }
0x36: {  	_ =	swait.ge [sflag:s13], $0x4000  }
.Ltmp1:
0x37: {  	[sflag:s13] =	ssyncset.done $0x0;
	(pc) =	sbr.rel @p0 .LBB2_1-.Ltmp1, $4  }
0x38: {  	[sflag:s13] =	ssyncadd.s32 $0xFFFFC000  }
0x39: {  	[hbm4b:s14+s2] =	stream.linear.scatter [tilespmem:s7], [sflag:$0x2], $0x10000, $0x38;
	[tilespmem:$0x10200] =	vst v63  }
0x3a: {  	_ =	swait.ge [sflag:s3], $0x10000  }
0x3b: {  	[sflag:s3] =	ssyncset.done $0x0  }
.LBB2_2:
0x3c: {  	[sflag:s3] =	ssyncadd.s32 $0xFFFF0000  }
0x3d: {  	_ =	sfence.sel $0x180000  }
0x3e: {  	[bflag:$0x0] =	sbarrier.arrive $0xFFFF  }
0x3f: {  	p0 =	sne.s32 s0, $0x0;
	_ =	strace $0x90000047  }
0x40: {  	s0 =	sadd.s32 @!p0 $0x100000, s1;
	[bflag:$0x2] =	sbarrier.arrive $0xFFFF  }
0x41: {  	[sflag:s0] =	ssyncadd.tile.s32 @!p0 $0x1;
	_ =	shalt  }
.Lfunc_end2:
_tile_overlayer_lowered:
.L_overlay_start_2:
0x42: {  	(tag) =	ssettag $0x2  }
0x43: {  	s0 =	rddreg [dreg:$0x0];
	s2 =	stileid.u32  }
0x44: {  	s1 =	rddreg [dreg:$0x1];
	p0 =	sne.s32 s2, $0x0  }
0x45: {  	s3 =	rddreg [dreg:$0x2];
	[bflag:$0x3] =	sbarrier.arrive $0xFFFF;
	s2 =	simm.s32 @!p0 $0x1C02  }
0x46: {  	[timem:s3], [sflag:s2] =	dma.local @!p0 [hbm:s0], s1  }
0x47: {  	s0 =	simm.s32 @!p0 $0x2  }
0x48: {  	_ =	swait.ge @!p0 [sflag:s0], s1  }
0x49: {  	s1 =	ssub.s32 @!p0 $0x0, s1;
	[sflag:s0] =	ssyncset.done @!p0 $0x0  }
0x4a: {  	[sflag:s0] =	ssyncadd.s32 @!p0 s1  }
0x4b: {  	[bflag:$0x3] =	sbarrier.arrive $0xFFFF  }
0x4c: {  	_ =	shalt  }

</sc_bundles>
